<compile_context>
chip_gen: v7x
topology: tpu7x:2x2x1
jax: 0.10.2.dev20260603
libtpu: 0.0.44.dev20260713+nightly
codegen_flags: <defaults>
</compile_context>

<pallas_src>
import jax
import jax.numpy as jnp
from jax import lax
from jax.experimental import pallas as pl
from jax.experimental.pallas import tpu as pltpu
from jax.experimental.pallas import tpu_sc as plsc

N = 10000
D = 128
E = 320000
NC, NS, L = 2, 16, 16
NW = NC * NS
NCH = 79
EPW = NCH * 128
EPAD = NW * EPW
NP = 10240
RPT = NP // NS


def _mesh():
    return plsc.VectorSubcoreMesh(
        core_axis_name="c", subcore_axis_name="s", num_cores=NC, num_subcores=NS
    )


_SC_PARAMS = pltpu.CompilerParams(needs_layout_passes=False)



def _sc_hist_body(dst_hbm, parts_hbm, idx_v, part_v):
    c = lax.axis_index("c")
    s = lax.axis_index("s")
    w = s * NC + c
    pltpu.sync_copy(dst_hbm.at[w], idx_v)

    def zero(i, _):
        part_v[pl.ds(i * L, L)] = jnp.zeros((L,), jnp.float32)
        return _

    lax.fori_loop(0, NP // L, zero, None)
    ones = jnp.ones((L,), jnp.float32)

    def body(i, _):
        idx = idx_v[pl.ds(i * L, L)]
        plsc.addupdate_scatter(part_v, [idx], ones)
        return _

    lax.fori_loop(0, EPW // L, body, None)
    pltpu.sync_copy(part_v, parts_hbm.at[w])


_sc_hist = pl.kernel(
    _sc_hist_body,
    out_type=jax.ShapeDtypeStruct((NW, NP), jnp.float32),
    mesh=_mesh(),
    compiler_params=_SC_PARAMS,
    scratch_types=[
        pltpu.VMEM((EPW,), jnp.int32),
        pltpu.VMEM((NP,), jnp.float32),
    ],
)



def _sc_sagg_body(vals_hbm, src_hbm, dst_hbm, parts_hbm, vals_v, idxs_v, idxd_v, part_v):
    c = lax.axis_index("c")
    s = lax.axis_index("s")
    w = s * NC + c
    pltpu.sync_copy(vals_hbm, vals_v)
    pltpu.sync_copy(src_hbm.at[w], idxs_v)
    pltpu.sync_copy(dst_hbm.at[w], idxd_v)

    def zero(i, _):
        part_v[pl.ds(i * L, L)] = jnp.zeros((L,), jnp.float32)
        return _

    lax.fori_loop(0, NP // L, zero, None)

    def body(i, _):
        si = idxs_v[pl.ds(i * L, L)]
        di = idxd_v[pl.ds(i * L, L)]
        v = plsc.load_gather(vals_v, [si])
        plsc.addupdate_scatter(part_v, [di], v)
        return _

    lax.fori_loop(0, EPW // L, body, None)
    pltpu.sync_copy(part_v, parts_hbm.at[w])


_sc_sagg = pl.kernel(
    _sc_sagg_body,
    out_type=jax.ShapeDtypeStruct((NW, NP), jnp.float32),
    mesh=_mesh(),
    compiler_params=_SC_PARAMS,
    scratch_types=[
        pltpu.VMEM((N,), jnp.float32),
        pltpu.VMEM((EPW,), jnp.int32),
        pltpu.VMEM((EPW,), jnp.int32),
        pltpu.VMEM((NP,), jnp.float32),
    ],
)



def _sc_ragg_body(hs_hbm, src_hbm, dst_hbm, p_hbm, isrc_v, idst_v, rows_v, acc_sh):
    c = lax.axis_index("c")
    s = lax.axis_index("s")
    w = s * NC + c
    pltpu.sync_copy(src_hbm.at[w], isrc_v)
    pltpu.sync_copy(dst_hbm.at[w], idst_v)

    def zrow(i, _):
        for k in range(D // L):
            rows_v[i, pl.ds(k * L, L)] = jnp.zeros((L,), jnp.float32)
        return _

    lax.fori_loop(0, 128, zrow, None)
    for j in range(RPT // 128):
        pltpu.sync_copy(rows_v, acc_sh.at[pl.ds(s * RPT + j * 128, 128)])
    plsc.subcore_barrier()

    def body(i, _):
        pltpu.sync_copy(hs_hbm.at[isrc_v.at[i]], rows_v)
        pltpu.sync_copy(rows_v, acc_sh.at[idst_v.at[i]], add=True)
        return _

    lax.fori_loop(0, NCH, body, None)
    plsc.subcore_barrier()
    pltpu.sync_copy(acc_sh.at[pl.ds(s * RPT, RPT)], p_hbm.at[c].at[pl.ds(s * RPT, RPT)])


_sc_ragg = pl.kernel(
    _sc_ragg_body,
    out_type=jax.ShapeDtypeStruct((NC, NP, D), jnp.float32),
    mesh=_mesh(),
    compiler_params=_SC_PARAMS,
    scratch_types=[
        pltpu.VMEM((NCH, 128), jnp.int32),
        pltpu.VMEM((NCH, 128), jnp.int32),
        pltpu.VMEM((128, D), jnp.float32),
        pltpu.VMEM_SHARED((NP, D), jnp.float32),
    ],
)



def _tc_dinv_body(parts_ref, dinv_ref):
    deg = jnp.sum(parts_ref[...], axis=0) + 1.0
    dinv_ref[...] = lax.rsqrt(deg)


def _tc_mm1_body(x_ref, w_ref, dinv_ref, hs_ref):
    h = jnp.dot(x_ref[...], w_ref[...], preferred_element_type=jnp.float32)
    hs_ref[...] = h * dinv_ref[0:N][:, None]


def _tc_mm2_body(p_ref, hs_ref, dinv_ref, b1_ref, w2_ref, gs_ref):
    dv = dinv_ref[0:N]
    agg = p_ref[0, 0:N] + p_ref[1, 0:N] + hs_ref[...]
    r = jnp.maximum(agg * dv[:, None] + b1_ref[...], 0.0)
    gs_ref[...] = jnp.sum(r * w2_ref[:, 0], axis=1) * dv


def _tc_fin_body(parts_ref, gs_ref, dinv_ref, b2_ref, out_ref):
    agg = jnp.sum(parts_ref[...], axis=0)[0:N] + gs_ref[...]
    out_ref[...] = (agg * dinv_ref[0:N] + b2_ref[0])[:, None]


def kernel(x, edge_index, W1, b1, W2, b2):
    src = edge_index[0].astype(jnp.int32)
    dst = edge_index[1].astype(jnp.int32)
    pad = EPAD - E
    srcp = jnp.concatenate([src, jnp.zeros((pad,), jnp.int32)])
    dstp = jnp.concatenate([dst, jnp.full((pad,), N, jnp.int32)])
    src_f = srcp.reshape(NW, EPW)
    dst_f = dstp.reshape(NW, EPW)
    src_c = srcp.reshape(NW, NCH, 128)
    dst_c = dstp.reshape(NW, NCH, 128)

    deg_parts = _sc_hist(dst_f)
    dinv = pl.pallas_call(
        _tc_dinv_body, out_shape=jax.ShapeDtypeStruct((NP,), jnp.float32)
    )(deg_parts)
    hs = pl.pallas_call(
        _tc_mm1_body, out_shape=jax.ShapeDtypeStruct((N, D), jnp.float32)
    )(x, W1, dinv)
    P = _sc_ragg(hs, src_c, dst_c)
    gs = pl.pallas_call(
        _tc_mm2_body, out_shape=jax.ShapeDtypeStruct((N,), jnp.float32)
    )(P, hs, dinv, b1, W2)
    parts2 = _sc_sagg(gs, src_f, dst_f)
    out = pl.pallas_call(
        _tc_fin_body, out_shape=jax.ShapeDtypeStruct((N, 1), jnp.float32)
    )(parts2, gs, dinv, b2)
    return out

# --- scband reference (transcript-rebuilt; emitter-appended) ---
"""Pipeline reference for scband-gcn-16295105921229 (READ-ONLY COPY).

The authoritative reference and input builder live on the scoring server;
editing this copy changes nothing except your own understanding.
"""

import jax, jax.numpy as jnp
import numpy as np

N_NODES = 10000
N_EDGES = 320000
IN_DIM = 128
HIDDEN_DIM = 128


def setup_inputs(seed: int = 0) -> dict:
    key = jax.random.key(seed)
    k1, k2, k3, k4, k5, k6 = jax.random.split(key, 6)
    x = jax.random.normal(k1, (N_NODES, IN_DIM), dtype=jnp.float32)
    edge_index = jax.random.randint(k2, (2, N_EDGES), 0, N_NODES, dtype=jnp.int64)
    # Glorot-style init like PyG GCNConv linear weights
    s1 = (6.0 / (IN_DIM + HIDDEN_DIM)) ** 0.5
    W1 = jax.random.uniform(k3, (IN_DIM, HIDDEN_DIM), dtype=jnp.float32, minval=-s1, maxval=s1)
    b1 = jnp.zeros((HIDDEN_DIM,), dtype=jnp.float32)
    s2 = (6.0 / (HIDDEN_DIM + 1)) ** 0.5
    W2 = jax.random.uniform(k4, (HIDDEN_DIM, 1), dtype=jnp.float32, minval=-s2, maxval=s2)
    b2 = jnp.zeros((1,), dtype=jnp.float32)
    return {"x": x, "edge_index": edge_index, "W1": W1, "b1": b1, "W2": W2, "b2": b2}


def _gcn_conv(x, src, dst, W, b, n_nodes):
    # PyG GCNConv: add self-loops, symmetric normalization, linear, scatter-add aggregate, bias
    loop = jnp.arange(n_nodes, dtype=src.dtype)
    src_full = jnp.concatenate([src, loop])
    dst_full = jnp.concatenate([dst, loop])
    deg = jnp.zeros((n_nodes,), dtype=x.dtype).at[dst_full].add(1.0)
    deg_inv_sqrt = jnp.where(deg > 0, deg ** -0.5, 0.0)
    norm = deg_inv_sqrt[src_full] * deg_inv_sqrt[dst_full]
    h = x @ W
    msg = h[src_full] * norm[:, None]
    out = jnp.zeros((n_nodes, W.shape[1]), dtype=x.dtype).at[dst_full].add(msg)
    return out + b


def reference(x, edge_index, W1, b1, W2, b2):
    n_nodes = x.shape[0]
    src = edge_index[0]
    dst = edge_index[1]
    h = _gcn_conv(x, src, dst, W1, b1, n_nodes)
    h = jax.nn.relu(h)
    # dropout p=0.0 / eval mode -> identity
    out = _gcn_conv(h, src, dst, W2, b2, n_nodes)
    return out

if __name__ == "__main__":
    import jax
    _d = setup_inputs()
    print(jax.jit(kernel)(*tuple(_d.values())))

</pallas_src>

<mosaic_0001>
#map = affine_map<(d0, d1) -> (0, 0)>
module attributes {stable_mosaic.version = 14 : i64} {
  func.func @_sc_hist_body(%arg0: i32, %arg1: i32, %arg2: memref<32x10112xi32, #tpu.memory_space<hbm>>, %arg3: memref<32x10240xf32, #tpu.memory_space<hbm>>, %arg4: memref<10112xi32, #tpu.memory_space<vmem>>, %arg5: memref<10240xf32, #tpu.memory_space<vmem>>) attributes {dimension_semantics = [#tpu.dimension_semantics<core_parallel>, #tpu.dimension_semantics<subcore_parallel>], iteration_bounds = array<i64: 2, 16>, scalar_prefetch = 0 : i64, scratch_operands = 2 : i64, tpu.core_type = #tpu.core_type<sc_vector_subcore>, window_params = [{transform_indices = #map}, {transform_indices = #map}]} {
    %mul3A = arith.constant 2 : i32
    %mul3A_0 = arith.muli %arg1, %mul3A : i32
    %add3A = arith.addi %mul3A_0, %arg0 : i32
    "tpu.region"() ({
      %run_scoped3A = tpu.sem_alloc : memref<!tpu.dma_semaphore, #tpu.memory_space<semaphore_mem>>
      %dma_start3A = arith.constant 0 : i32
      %dma_start3A_11 = tpu.memref_slice %arg2[%add3A, %dma_start3A] : memref<32x10112xi32, #tpu.memory_space<hbm>> -> memref<1x10112xi32, #tpu.memory_space<hbm>>
      %dma_start3A_12 = tpu.memref_squeeze %dma_start3A_11 : memref<1x10112xi32, #tpu.memory_space<hbm>> -> memref<10112xi32, #tpu.memory_space<hbm>>
      %dma_start3A_13 = arith.constant 0 : i32
      %dma_start3A_14 = tpu.memref_slice %arg2[%add3A, %dma_start3A_13] : memref<32x10112xi32, #tpu.memory_space<hbm>> -> memref<1x10112xi32, #tpu.memory_space<hbm>>
      %dma_start3A_15 = tpu.memref_squeeze %dma_start3A_14 : memref<1x10112xi32, #tpu.memory_space<hbm>> -> memref<10112xi32, #tpu.memory_space<hbm>>
      tpu.enqueue_dma source(%dma_start3A_15 : memref<10112xi32, #tpu.memory_space<hbm>>) target(%arg4 : memref<10112xi32, #tpu.memory_space<vmem>>) target_semaphore(%run_scoped3A : memref<!tpu.dma_semaphore, #tpu.memory_space<semaphore_mem>>)
      %dma_wait3A = arith.constant 0 : i32
      %dma_wait3A_16 = tpu.memref_slice %arg2[%add3A, %dma_wait3A] : memref<32x10112xi32, #tpu.memory_space<hbm>> -> memref<1x10112xi32, #tpu.memory_space<hbm>>
      %dma_wait3A_17 = tpu.memref_squeeze %dma_wait3A_16 : memref<1x10112xi32, #tpu.memory_space<hbm>> -> memref<10112xi32, #tpu.memory_space<hbm>>
      %dma_wait3A_18 = arith.constant 0 : i32
      %dma_wait3A_19 = tpu.memref_slice %arg2[%add3A, %dma_wait3A_18] : memref<32x10112xi32, #tpu.memory_space<hbm>> -> memref<1x10112xi32, #tpu.memory_space<hbm>>
      %dma_wait3A_20 = tpu.memref_squeeze %dma_wait3A_19 : memref<1x10112xi32, #tpu.memory_space<hbm>> -> memref<10112xi32, #tpu.memory_space<hbm>>
      tpu.wait_dma2 semaphore(%run_scoped3A : memref<!tpu.dma_semaphore, #tpu.memory_space<semaphore_mem>>) src(%dma_wait3A_20 : memref<10112xi32, #tpu.memory_space<hbm>>) dst(%arg4 : memref<10112xi32, #tpu.memory_space<vmem>>)
      tpu.yield
    }) : () -> ()
    %scan3A = arith.constant 0 : i32
    %scan3A_1 = arith.constant 640 : i32
    %scan3A_2 = arith.addi %scan3A, %scan3A_1 : i32
    %scan3A_3 = arith.constant 1 : i32
    scf.for %scan3A_11 = %scan3A to %scan3A_2 step %scan3A_3  : i32 {
      %broadcast_in_dim3A_12 = arith.constant 0.000000e+00 : f32
      %broadcast_in_dim3A_13 = vector.broadcast %broadcast_in_dim3A_12 : f32 to vector<16xf32>
      %mul3A_14 = arith.constant 16 : i32
      %mul3A_15 = arith.muli %scan3A_11, %mul3A_14 : i32
      %swap3A = arith.index_cast %mul3A_15 : i32 to index
      %swap3A_16 = tpu.vector_load %arg5[%swap3A] {strides = array<i32>} : memref<10240xf32, #tpu.memory_space<vmem>>, vector<16xf32>,
      tpu.vector_store %arg5[%swap3A], %broadcast_in_dim3A_13 {strides = array<i32>} : memref<10240xf32, #tpu.memory_space<vmem>>, vector<16xf32>,
    }
    %scan3A_4 = arith.constant 640 : i32
    %broadcast_in_dim3A = arith.constant 1.000000e+00 : f32
    %broadcast_in_dim3A_5 = vector.broadcast %broadcast_in_dim3A : f32 to vector<16xf32>
    %scan3A_6 = arith.constant 0 : i32
    %scan3A_7 = arith.constant 632 : i32
    %scan3A_8 = arith.addi %scan3A_6, %scan3A_7 : i32
    %scan3A_9 = arith.constant 1 : i32
    scf.for %scan3A_11 = %scan3A_6 to %scan3A_8 step %scan3A_9  : i32 {
      %mul3A_12 = arith.constant 16 : i32
      %mul3A_13 = arith.muli %scan3A_11, %mul3A_12 : i32
      %get3A = arith.index_cast %mul3A_13 : i32 to index
      %get3A_14 = tpu.vector_load %arg4[%get3A] {strides = array<i32>} : memref<10112xi32, #tpu.memory_space<vmem>>, vector<16xi32>,
      tpu.vector_store_idx %arg5[%get3A_14], %broadcast_in_dim3A_5 {add = true} : memref<10240xf32, #tpu.memory_space<vmem>>[vector<16xi32>], vector<16xf32>,
    }
    %scan3A_10 = arith.constant 632 : i32
    "tpu.region"() ({
      %run_scoped3A = tpu.sem_alloc : memref<!tpu.dma_semaphore, #tpu.memory_space<semaphore_mem>>
      %dma_start3A = arith.constant 0 : i32
      %dma_start3A_11 = tpu.memref_slice %arg3[%add3A, %dma_start3A] : memref<32x10240xf32, #tpu.memory_space<hbm>> -> memref<1x10240xf32, #tpu.memory_space<hbm>>
      %dma_start3A_12 = tpu.memref_squeeze %dma_start3A_11 : memref<1x10240xf32, #tpu.memory_space<hbm>> -> memref<10240xf32, #tpu.memory_space<hbm>>
      %dma_start3A_13 = arith.constant 0 : i32
      %dma_start3A_14 = tpu.memref_slice %arg3[%add3A, %dma_start3A_13] : memref<32x10240xf32, #tpu.memory_space<hbm>> -> memref<1x10240xf32, #tpu.memory_space<hbm>>
      %dma_start3A_15 = tpu.memref_squeeze %dma_start3A_14 : memref<1x10240xf32, #tpu.memory_space<hbm>> -> memref<10240xf32, #tpu.memory_space<hbm>>
      tpu.enqueue_dma source(%arg5 : memref<10240xf32, #tpu.memory_space<vmem>>) target(%dma_start3A_15 : memref<10240xf32, #tpu.memory_space<hbm>>) target_semaphore(%run_scoped3A : memref<!tpu.dma_semaphore, #tpu.memory_space<semaphore_mem>>)
      %dma_wait3A = arith.constant 0 : i32
      %dma_wait3A_16 = tpu.memref_slice %arg3[%add3A, %dma_wait3A] : memref<32x10240xf32, #tpu.memory_space<hbm>> -> memref<1x10240xf32, #tpu.memory_space<hbm>>
      %dma_wait3A_17 = tpu.memref_squeeze %dma_wait3A_16 : memref<1x10240xf32, #tpu.memory_space<hbm>> -> memref<10240xf32, #tpu.memory_space<hbm>>
      %dma_wait3A_18 = arith.constant 0 : i32
      %dma_wait3A_19 = tpu.memref_slice %arg3[%add3A, %dma_wait3A_18] : memref<32x10240xf32, #tpu.memory_space<hbm>> -> memref<1x10240xf32, #tpu.memory_space<hbm>>
      %dma_wait3A_20 = tpu.memref_squeeze %dma_wait3A_19 : memref<1x10240xf32, #tpu.memory_space<hbm>> -> memref<10240xf32, #tpu.memory_space<hbm>>
      tpu.wait_dma2 semaphore(%run_scoped3A : memref<!tpu.dma_semaphore, #tpu.memory_space<semaphore_mem>>) src(%arg5 : memref<10240xf32, #tpu.memory_space<vmem>>) dst(%dma_wait3A_20 : memref<10240xf32, #tpu.memory_space<hbm>>)
      tpu.yield
    }) : () -> ()
    return
  }
}

#map = affine_map<(d0, d1) -> (0, 0)>
#map1 = affine_map<(d0, d1) -> (0, 0, 0)>
module attributes {stable_mosaic.version = 14 : i64} {
  func.func @_sc_ragg_body(%arg0: i32, %arg1: i32, %arg2: memref<10000x128xf32, #tpu.memory_space<hbm>>, %arg3: memref<32x79x128xi32, #tpu.memory_space<hbm>>, %arg4: memref<32x79x128xi32, #tpu.memory_space<hbm>>, %arg5: memref<2x10240x128xf32, #tpu.memory_space<hbm>>, %arg6: memref<79x128xi32, #tpu.memory_space<vmem>>, %arg7: memref<79x128xi32, #tpu.memory_space<vmem>>, %arg8: memref<128x128xf32, #tpu.memory_space<vmem>>, %arg9: memref<10240x128xf32, #tpu.memory_space<vmem_shared>>) attributes {dimension_semantics = [#tpu.dimension_semantics<core_parallel>, #tpu.dimension_semantics<subcore_parallel>], iteration_bounds = array<i64: 2, 16>, scalar_prefetch = 0 : i64, scratch_operands = 4 : i64, tpu.core_type = #tpu.core_type<sc_vector_subcore>, window_params = [{transform_indices = #map}, {transform_indices = #map1}, {transform_indices = #map1}, {transform_indices = #map1}]} {
    %mul3A = arith.constant 2 : i32
    %mul3A_0 = arith.muli %arg1, %mul3A : i32
    %add3A = arith.addi %mul3A_0, %arg0 : i32
    "tpu.region"() ({
      %run_scoped3A = tpu.sem_alloc : memref<!tpu.dma_semaphore, #tpu.memory_space<semaphore_mem>>
      %dma_start3A = arith.constant 0 : i32
      %dma_start3A_35 = arith.constant 0 : i32
      %dma_start3A_36 = tpu.memref_slice %arg3[%add3A, %dma_start3A, %dma_start3A_35] : memref<32x79x128xi32, #tpu.memory_space<hbm>> -> memref<1x79x128xi32, #tpu.memory_space<hbm>>
      %dma_start3A_37 = tpu.memref_squeeze %dma_start3A_36 : memref<1x79x128xi32, #tpu.memory_space<hbm>> -> memref<79x128xi32, #tpu.memory_space<hbm>>
      %dma_start3A_38 = arith.constant 0 : i32
      %dma_start3A_39 = arith.constant 0 : i32
      %dma_start3A_40 = tpu.memref_slice %arg3[%add3A, %dma_start3A_38, %dma_start3A_39] : memref<32x79x128xi32, #tpu.memory_space<hbm>> -> memref<1x79x128xi32, #tpu.memory_space<hbm>>
      %dma_start3A_41 = tpu.memref_squeeze %dma_start3A_40 : memref<1x79x128xi32, #tpu.memory_space<hbm>> -> memref<79x128xi32, #tpu.memory_space<hbm>>
      tpu.enqueue_dma source(%dma_start3A_41 : memref<79x128xi32, #tpu.memory_space<hbm>>) target(%arg6 : memref<79x128xi32, #tpu.memory_space<vmem>>) target_semaphore(%run_scoped3A : memref<!tpu.dma_semaphore, #tpu.memory_space<semaphore_mem>>)
      %dma_wait3A = arith.constant 0 : i32
      %dma_wait3A_42 = arith.constant 0 : i32
      %dma_wait3A_43 = tpu.memref_slice %arg3[%add3A, %dma_wait3A, %dma_wait3A_42] : memref<32x79x128xi32, #tpu.memory_space<hbm>> -> memref<1x79x128xi32, #tpu.memory_space<hbm>>
      %dma_wait3A_44 = tpu.memref_squeeze %dma_wait3A_43 : memref<1x79x128xi32, #tpu.memory_space<hbm>> -> memref<79x128xi32, #tpu.memory_space<hbm>>
      %dma_wait3A_45 = arith.constant 0 : i32
      %dma_wait3A_46 = arith.constant 0 : i32
      %dma_wait3A_47 = tpu.memref_slice %arg3[%add3A, %dma_wait3A_45, %dma_wait3A_46] : memref<32x79x128xi32, #tpu.memory_space<hbm>> -> memref<1x79x128xi32, #tpu.memory_space<hbm>>
      %dma_wait3A_48 = tpu.memref_squeeze %dma_wait3A_47 : memref<1x79x128xi32, #tpu.memory_space<hbm>> -> memref<79x128xi32, #tpu.memory_space<hbm>>
      tpu.wait_dma2 semaphore(%run_scoped3A : memref<!tpu.dma_semaphore, #tpu.memory_space<semaphore_mem>>) src(%dma_wait3A_48 : memref<79x128xi32, #tpu.memory_space<hbm>>) dst(%arg6 : memref<79x128xi32, #tpu.memory_space<vmem>>)
      tpu.yield
    }) : () -> ()
    "tpu.region"() ({
      %run_scoped3A = tpu.sem_alloc : memref<!tpu.dma_semaphore, #tpu.memory_space<semaphore_mem>>
      %dma_start3A = arith.constant 0 : i32
      %dma_start3A_35 = arith.constant 0 : i32
      %dma_start3A_36 = tpu.memref_slice %arg4[%add3A, %dma_start3A, %dma_start3A_35] : memref<32x79x128xi32, #tpu.memory_space<hbm>> -> memref<1x79x128xi32, #tpu.memory_space<hbm>>
      %dma_start3A_37 = tpu.memref_squeeze %dma_start3A_36 : memref<1x79x128xi32, #tpu.memory_space<hbm>> -> memref<79x128xi32, #tpu.memory_space<hbm>>
      %dma_start3A_38 = arith.constant 0 : i32
      %dma_start3A_39 = arith.constant 0 : i32
      %dma_start3A_40 = tpu.memref_slice %arg4[%add3A, %dma_start3A_38, %dma_start3A_39] : memref<32x79x128xi32, #tpu.memory_space<hbm>> -> memref<1x79x128xi32, #tpu.memory_space<hbm>>
      %dma_start3A_41 = tpu.memref_squeeze %dma_start3A_40 : memref<1x79x128xi32, #tpu.memory_space<hbm>> -> memref<79x128xi32, #tpu.memory_space<hbm>>
      tpu.enqueue_dma source(%dma_start3A_41 : memref<79x128xi32, #tpu.memory_space<hbm>>) target(%arg7 : memref<79x128xi32, #tpu.memory_space<vmem>>) target_semaphore(%run_scoped3A : memref<!tpu.dma_semaphore, #tpu.memory_space<semaphore_mem>>)
      %dma_wait3A = arith.constant 0 : i32
      %dma_wait3A_42 = arith.constant 0 : i32
      %dma_wait3A_43 = tpu.memref_slice %arg4[%add3A, %dma_wait3A, %dma_wait3A_42] : memref<32x79x128xi32, #tpu.memory_space<hbm>> -> memref<1x79x128xi32, #tpu.memory_space<hbm>>
      %dma_wait3A_44 = tpu.memref_squeeze %dma_wait3A_43 : memref<1x79x128xi32, #tpu.memory_space<hbm>> -> memref<79x128xi32, #tpu.memory_space<hbm>>
      %dma_wait3A_45 = arith.constant 0 : i32
      %dma_wait3A_46 = arith.constant 0 : i32
      %dma_wait3A_47 = tpu.memref_slice %arg4[%add3A, %dma_wait3A_45, %dma_wait3A_46] : memref<32x79x128xi32, #tpu.memory_space<hbm>> -> memref<1x79x128xi32, #tpu.memory_space<hbm>>
      %dma_wait3A_48 = tpu.memref_squeeze %dma_wait3A_47 : memref<1x79x128xi32, #tpu.memory_space<hbm>> -> memref<79x128xi32, #tpu.memory_space<hbm>>
      tpu.wait_dma2 semaphore(%run_scoped3A : memref<!tpu.dma_semaphore, #tpu.memory_space<semaphore_mem>>) src(%dma_wait3A_48 : memref<79x128xi32, #tpu.memory_space<hbm>>) dst(%arg7 : memref<79x128xi32, #tpu.memory_space<vmem>>)
      tpu.yield
    }) : () -> ()
    %scan3A = arith.constant 0 : i32
    %scan3A_1 = arith.constant 128 : i32
    %scan3A_2 = arith.addi %scan3A, %scan3A_1 : i32
    %scan3A_3 = arith.constant 1 : i32
    scf.for %scan3A_35 = %scan3A to %scan3A_2 step %scan3A_3  : i32 {
      %broadcast_in_dim3A = arith.constant 0.000000e+00 : f32
      %broadcast_in_dim3A_36 = vector.broadcast %broadcast_in_dim3A : f32 to vector<16xf32>
      %swap3A = arith.index_cast %scan3A_35 : i32 to index
      %swap3A_37 = arith.constant 0 : index
      %swap3A_38 = tpu.vector_load %arg8[%swap3A, %swap3A_37] {strides = array<i32>} : memref<128x128xf32, #tpu.memory_space<vmem>>, vector<16xf32>,
      tpu.vector_store %arg8[%swap3A, %swap3A_37], %broadcast_in_dim3A_36 {strides = array<i32>} : memref<128x128xf32, #tpu.memory_space<vmem>>, vector<16xf32>,
      %broadcast_in_dim3A_39 = arith.constant 0.000000e+00 : f32
      %broadcast_in_dim3A_40 = vector.broadcast %broadcast_in_dim3A_39 : f32 to vector<16xf32>
      %swap3A_41 = arith.index_cast %scan3A_35 : i32 to index
      %swap3A_42 = arith.constant 16 : index
      %swap3A_43 = tpu.vector_load %arg8[%swap3A_41, %swap3A_42] {strides = array<i32>} : memref<128x128xf32, #tpu.memory_space<vmem>>, vector<16xf32>,
      tpu.vector_store %arg8[%swap3A_41, %swap3A_42], %broadcast_in_dim3A_40 {strides = array<i32>} : memref<128x128xf32, #tpu.memory_space<vmem>>, vector<16xf32>,
      %broadcast_in_dim3A_44 = arith.constant 0.000000e+00 : f32
      %broadcast_in_dim3A_45 = vector.broadcast %broadcast_in_dim3A_44 : f32 to vector<16xf32>
      %swap3A_46 = arith.index_cast %scan3A_35 : i32 to index
      %swap3A_47 = arith.constant 32 : index
      %swap3A_48 = tpu.vector_load %arg8[%swap3A_46, %swap3A_47] {strides = array<i32>} : memref<128x128xf32, #tpu.memory_space<vmem>>, vector<16xf32>,
      tpu.vector_store %arg8[%swap3A_46, %swap3A_47], %broadcast_in_dim3A_45 {strides = array<i32>} : memref<128x128xf32, #tpu.memory_space<vmem>>, vector<16xf32>,
      %broadcast_in_dim3A_49 = arith.constant 0.000000e+00 : f32
      %broadcast_in_dim3A_50 = vector.broadcast %broadcast_in_dim3A_49 : f32 to vector<16xf32>
      %swap3A_51 = arith.index_cast %scan3A_35 : i32 to index
      %swap3A_52 = arith.constant 48 : index
      %swap3A_53 = tpu.vector_load %arg8[%swap3A_51, %swap3A_52] {strides = array<i32>} : memref<128x128xf32, #tpu.memory_space<vmem>>, vector<16xf32>,
      tpu.vector_store %arg8[%swap3A_51, %swap3A_52], %broadcast_in_dim3A_50 {strides = array<i32>} : memref<128x128xf32, #tpu.memory_space<vmem>>, vector<16xf32>,
      %broadcast_in_dim3A_54 = arith.constant 0.000000e+00 : f32
      %broadcast_in_dim3A_55 = vector.broadcast %broadcast_in_dim3A_54 : f32 to vector<16xf32>
      %swap3A_56 = arith.index_cast %scan3A_35 : i32 to index
      %swap3A_57 = arith.constant 64 : index
      %swap3A_58 = tpu.vector_load %arg8[%swap3A_56, %swap3A_57] {strides = array<i32>} : memref<128x128xf32, #tpu.memory_space<vmem>>, vector<16xf32>,
      tpu.vector_store %arg8[%swap3A_56, %swap3A_57], %broadcast_in_dim3A_55 {strides = array<i32>} : memref<128x128xf32, #tpu.memory_space<vmem>>, vector<16xf32>,
      %broadcast_in_dim3A_59 = arith.constant 0.000000e+00 : f32
      %broadcast_in_dim3A_60 = vector.broadcast %broadcast_in_dim3A_59 : f32 to vector<16xf32>
      %swap3A_61 = arith.index_cast %scan3A_35 : i32 to index
      %swap3A_62 = arith.constant 80 : index
      %swap3A_63 = tpu.vector_load %arg8[%swap3A_61, %swap3A_62] {strides = array<i32>} : memref<128x128xf32, #tpu.memory_space<vmem>>, vector<16xf32>,
      tpu.vector_store %arg8[%swap3A_61, %swap3A_62], %broadcast_in_dim3A_60 {strides = array<i32>} : memref<128x128xf32, #tpu.memory_space<vmem>>, vector<16xf32>,
      %broadcast_in_dim3A_64 = arith.constant 0.000000e+00 : f32
      %broadcast_in_dim3A_65 = vector.broadcast %broadcast_in_dim3A_64 : f32 to vector<16xf32>
      %swap3A_66 = arith.index_cast %scan3A_35 : i32 to index
      %swap3A_67 = arith.constant 96 : index
      %swap3A_68 = tpu.vector_load %arg8[%swap3A_66, %swap3A_67] {strides = array<i32>} : memref<128x128xf32, #tpu.memory_space<vmem>>, vector<16xf32>,
      tpu.vector_store %arg8[%swap3A_66, %swap3A_67], %broadcast_in_dim3A_65 {strides = array<i32>} : memref<128x128xf32, #tpu.memory_space<vmem>>, vector<16xf32>,
      %broadcast_in_dim3A_69 = arith.constant 0.000000e+00 : f32
      %broadcast_in_dim3A_70 = vector.broadcast %broadcast_in_dim3A_69 : f32 to vector<16xf32>
      %swap3A_71 = arith.index_cast %scan3A_35 : i32 to index
      %swap3A_72 = arith.constant 112 : index
      %swap3A_73 = tpu.vector_load %arg8[%swap3A_71, %swap3A_72] {strides = array<i32>} : memref<128x128xf32, #tpu.memory_space<vmem>>, vector<16xf32>,
      tpu.vector_store %arg8[%swap3A_71, %swap3A_72], %broadcast_in_dim3A_70 {strides = array<i32>} : memref<128x128xf32, #tpu.memory_space<vmem>>, vector<16xf32>,
    }
    %scan3A_4 = arith.constant 128 : i32
    %mul3A_5 = arith.constant 640 : i32
    %mul3A_6 = arith.muli %arg1, %mul3A_5 : i32
    %add3A_7 = arith.constant 0 : i32
    %add3A_8 = arith.addi %mul3A_6, %add3A_7 : i32
    "tpu.region"() ({
      %run_scoped3A = tpu.sem_alloc : memref<!tpu.dma_semaphore, #tpu.memory_space<semaphore_mem>>
      %dma_start3A = arith.constant 0 : i32
      %dma_start3A_35 = tpu.memref_slice %arg9[%add3A_8, %dma_start3A] : memref<10240x128xf32, #tpu.memory_space<vmem_shared>> -> memref<128x128xf32, #tpu.memory_space<vmem_shared>>
      %dma_start3A_36 = arith.constant 0 : i32
      %dma_start3A_37 = tpu.memref_slice %arg9[%add3A_8, %dma_start3A_36] : memref<10240x128xf32, #tpu.memory_space<vmem_shared>> -> memref<128x128xf32, #tpu.memory_space<vmem_shared>>
      tpu.enqueue_dma source(%arg8 : memref<128x128xf32, #tpu.memory_space<vmem>>) target(%dma_start3A_37 : memref<128x128xf32, #tpu.memory_space<vmem_shared>>) target_semaphore(%run_scoped3A : memref<!tpu.dma_semaphore, #tpu.memory_space<semaphore_mem>>)
      %dma_wait3A = arith.constant 0 : i32
      %dma_wait3A_38 = tpu.memref_slice %arg9[%add3A_8, %dma_wait3A] : memref<10240x128xf32, #tpu.memory_space<vmem_shared>> -> memref<128x128xf32, #tpu.memory_space<vmem_shared>>
      %dma_wait3A_39 = arith.constant 0 : i32
      %dma_wait3A_40 = tpu.memref_slice %arg9[%add3A_8, %dma_wait3A_39] : memref<10240x128xf32, #tpu.memory_space<vmem_shared>> -> memref<128x128xf32, #tpu.memory_space<vmem_shared>>
      tpu.wait_dma2 semaphore(%run_scoped3A : memref<!tpu.dma_semaphore, #tpu.memory_space<semaphore_mem>>) src(%arg8 : memref<128x128xf32, #tpu.memory_space<vmem>>) dst(%dma_wait3A_40 : memref<128x128xf32, #tpu.memory_space<vmem_shared>>)
      tpu.yield
    }) : () -> ()
    %mul3A_9 = arith.constant 640 : i32
    %mul3A_10 = arith.muli %arg1, %mul3A_9 : i32
    %add3A_11 = arith.constant 128 : i32
    %add3A_12 = arith.addi %mul3A_10, %add3A_11 : i32
    "tpu.region"() ({
      %run_scoped3A = tpu.sem_alloc : memref<!tpu.dma_semaphore, #tpu.memory_space<semaphore_mem>>
      %dma_start3A = arith.constant 0 : i32
      %dma_start3A_35 = tpu.memref_slice %arg9[%add3A_12, %dma_start3A] : memref<10240x128xf32, #tpu.memory_space<vmem_shared>> -> memref<128x128xf32, #tpu.memory_space<vmem_shared>>
      %dma_start3A_36 = arith.constant 0 : i32
      %dma_start3A_37 = tpu.memref_slice %arg9[%add3A_12, %dma_start3A_36] : memref<10240x128xf32, #tpu.memory_space<vmem_shared>> -> memref<128x128xf32, #tpu.memory_space<vmem_shared>>
      tpu.enqueue_dma source(%arg8 : memref<128x128xf32, #tpu.memory_space<vmem>>) target(%dma_start3A_37 : memref<128x128xf32, #tpu.memory_space<vmem_shared>>) target_semaphore(%run_scoped3A : memref<!tpu.dma_semaphore, #tpu.memory_space<semaphore_mem>>)
      %dma_wait3A = arith.constant 0 : i32
      %dma_wait3A_38 = tpu.memref_slice %arg9[%add3A_12, %dma_wait3A] : memref<10240x128xf32, #tpu.memory_space<vmem_shared>> -> memref<128x128xf32, #tpu.memory_space<vmem_shared>>
      %dma_wait3A_39 = arith.constant 0 : i32
      %dma_wait3A_40 = tpu.memref_slice %arg9[%add3A_12, %dma_wait3A_39] : memref<10240x128xf32, #tpu.memory_space<vmem_shared>> -> memref<128x128xf32, #tpu.memory_space<vmem_shared>>
      tpu.wait_dma2 semaphore(%run_scoped3A : memref<!tpu.dma_semaphore, #tpu.memory_space<semaphore_mem>>) src(%arg8 : memref<128x128xf32, #tpu.memory_space<vmem>>) dst(%dma_wait3A_40 : memref<128x128xf32, #tpu.memory_space<vmem_shared>>)
      tpu.yield
    }) : () -> ()
    %mul3A_13 = arith.constant 640 : i32
    %mul3A_14 = arith.muli %arg1, %mul3A_13 : i32
    %add3A_15 = arith.constant 256 : i32
    %add3A_16 = arith.addi %mul3A_14, %add3A_15 : i32
    "tpu.region"() ({
      %run_scoped3A = tpu.sem_alloc : memref<!tpu.dma_semaphore, #tpu.memory_space<semaphore_mem>>
      %dma_start3A = arith.constant 0 : i32
      %dma_start3A_35 = tpu.memref_slice %arg9[%add3A_16, %dma_start3A] : memref<10240x128xf32, #tpu.memory_space<vmem_shared>> -> memref<128x128xf32, #tpu.memory_space<vmem_shared>>
      %dma_start3A_36 = arith.constant 0 : i32
      %dma_start3A_37 = tpu.memref_slice %arg9[%add3A_16, %dma_start3A_36] : memref<10240x128xf32, #tpu.memory_space<vmem_shared>> -> memref<128x128xf32, #tpu.memory_space<vmem_shared>>
      tpu.enqueue_dma source(%arg8 : memref<128x128xf32, #tpu.memory_space<vmem>>) target(%dma_start3A_37 : memref<128x128xf32, #tpu.memory_space<vmem_shared>>) target_semaphore(%run_scoped3A : memref<!tpu.dma_semaphore, #tpu.memory_space<semaphore_mem>>)
      %dma_wait3A = arith.constant 0 : i32
      %dma_wait3A_38 = tpu.memref_slice %arg9[%add3A_16, %dma_wait3A] : memref<10240x128xf32, #tpu.memory_space<vmem_shared>> -> memref<128x128xf32, #tpu.memory_space<vmem_shared>>
      %dma_wait3A_39 = arith.constant 0 : i32
      %dma_wait3A_40 = tpu.memref_slice %arg9[%add3A_16, %dma_wait3A_39] : memref<10240x128xf32, #tpu.memory_space<vmem_shared>> -> memref<128x128xf32, #tpu.memory_space<vmem_shared>>
      tpu.wait_dma2 semaphore(%run_scoped3A : memref<!tpu.dma_semaphore, #tpu.memory_space<semaphore_mem>>) src(%arg8 : memref<128x128xf32, #tpu.memory_space<vmem>>) dst(%dma_wait3A_40 : memref<128x128xf32, #tpu.memory_space<vmem_shared>>)
      tpu.yield
    }) : () -> ()
    %mul3A_17 = arith.constant 640 : i32
    %mul3A_18 = arith.muli %arg1, %mul3A_17 : i32
    %add3A_19 = arith.constant 384 : i32
    %add3A_20 = arith.addi %mul3A_18, %add3A_19 : i32
    "tpu.region"() ({
      %run_scoped3A = tpu.sem_alloc : memref<!tpu.dma_semaphore, #tpu.memory_space<semaphore_mem>>
      %dma_start3A = arith.constant 0 : i32
      %dma_start3A_35 = tpu.memref_slice %arg9[%add3A_20, %dma_start3A] : memref<10240x128xf32, #tpu.memory_space<vmem_shared>> -> memref<128x128xf32, #tpu.memory_space<vmem_shared>>
      %dma_start3A_36 = arith.constant 0 : i32
      %dma_start3A_37 = tpu.memref_slice %arg9[%add3A_20, %dma_start3A_36] : memref<10240x128xf32, #tpu.memory_space<vmem_shared>> -> memref<128x128xf32, #tpu.memory_space<vmem_shared>>
      tpu.enqueue_dma source(%arg8 : memref<128x128xf32, #tpu.memory_space<vmem>>) target(%dma_start3A_37 : memref<128x128xf32, #tpu.memory_space<vmem_shared>>) target_semaphore(%run_scoped3A : memref<!tpu.dma_semaphore, #tpu.memory_space<semaphore_mem>>)
      %dma_wait3A = arith.constant 0 : i32
      %dma_wait3A_38 = tpu.memref_slice %arg9[%add3A_20, %dma_wait3A] : memref<10240x128xf32, #tpu.memory_space<vmem_shared>> -> memref<128x128xf32, #tpu.memory_space<vmem_shared>>
      %dma_wait3A_39 = arith.constant 0 : i32
      %dma_wait3A_40 = tpu.memref_slice %arg9[%add3A_20, %dma_wait3A_39] : memref<10240x128xf32, #tpu.memory_space<vmem_shared>> -> memref<128x128xf32, #tpu.memory_space<vmem_shared>>
      tpu.wait_dma2 semaphore(%run_scoped3A : memref<!tpu.dma_semaphore, #tpu.memory_space<semaphore_mem>>) src(%arg8 : memref<128x128xf32, #tpu.memory_space<vmem>>) dst(%dma_wait3A_40 : memref<128x128xf32, #tpu.memory_space<vmem_shared>>)
      tpu.yield
    }) : () -> ()
    %mul3A_21 = arith.constant 640 : i32
    %mul3A_22 = arith.muli %arg1, %mul3A_21 : i32
    %add3A_23 = arith.constant 512 : i32
    %add3A_24 = arith.addi %mul3A_22, %add3A_23 : i32
    "tpu.region"() ({
      %run_scoped3A = tpu.sem_alloc : memref<!tpu.dma_semaphore, #tpu.memory_space<semaphore_mem>>
      %dma_start3A = arith.constant 0 : i32
      %dma_start3A_35 = tpu.memref_slice %arg9[%add3A_24, %dma_start3A] : memref<10240x128xf32, #tpu.memory_space<vmem_shared>> -> memref<128x128xf32, #tpu.memory_space<vmem_shared>>
      %dma_start3A_36 = arith.constant 0 : i32
      %dma_start3A_37 = tpu.memref_slice %arg9[%add3A_24, %dma_start3A_36] : memref<10240x128xf32, #tpu.memory_space<vmem_shared>> -> memref<128x128xf32, #tpu.memory_space<vmem_shared>>
      tpu.enqueue_dma source(%arg8 : memref<128x128xf32, #tpu.memory_space<vmem>>) target(%dma_start3A_37 : memref<128x128xf32, #tpu.memory_space<vmem_shared>>) target_semaphore(%run_scoped3A : memref<!tpu.dma_semaphore, #tpu.memory_space<semaphore_mem>>)
      %dma_wait3A = arith.constant 0 : i32
      %dma_wait3A_38 = tpu.memref_slice %arg9[%add3A_24, %dma_wait3A] : memref<10240x128xf32, #tpu.memory_space<vmem_shared>> -> memref<128x128xf32, #tpu.memory_space<vmem_shared>>
      %dma_wait3A_39 = arith.constant 0 : i32
      %dma_wait3A_40 = tpu.memref_slice %arg9[%add3A_24, %dma_wait3A_39] : memref<10240x128xf32, #tpu.memory_space<vmem_shared>> -> memref<128x128xf32, #tpu.memory_space<vmem_shared>>
      tpu.wait_dma2 semaphore(%run_scoped3A : memref<!tpu.dma_semaphore, #tpu.memory_space<semaphore_mem>>) src(%arg8 : memref<128x128xf32, #tpu.memory_space<vmem>>) dst(%dma_wait3A_40 : memref<128x128xf32, #tpu.memory_space<vmem_shared>>)
      tpu.yield
    }) : () -> ()
    %barrier3A = arith.constant 0 : index
    tpu.barrier barrier_id(%barrier3A)
    %scan3A_25 = arith.constant 0 : i32
    %scan3A_26 = arith.constant 79 : i32
    %scan3A_27 = arith.addi %scan3A_25, %scan3A_26 : i32
    %scan3A_28 = arith.constant 1 : i32
    scf.for %scan3A_35 = %scan3A_25 to %scan3A_27 step %scan3A_28  : i32 {
      "tpu.region"() ({
        %run_scoped3A = tpu.sem_alloc : memref<!tpu.dma_semaphore, #tpu.memory_space<semaphore_mem>>
        %dma_start3A = arith.constant 0 : i32
        %dma_start3A_36 = tpu.memref_slice %arg6[%scan3A_35, %dma_start3A] : memref<79x128xi32, #tpu.memory_space<vmem>> -> memref<1x128xi32, #tpu.memory_space<vmem>>
        %dma_start3A_37 = tpu.memref_squeeze %dma_start3A_36 : memref<1x128xi32, #tpu.memory_space<vmem>> -> memref<128xi32, #tpu.memory_space<vmem>>
        %dma_start3A_38 = arith.constant 0 : i32
        %dma_start3A_39 = arith.constant 0 : i32
        %dma_start3A_40 = tpu.memref_slice %arg2[%dma_start3A_38, %dma_start3A_39] : memref<10000x128xf32, #tpu.memory_space<hbm>> -> memref<10000x128xf32, #tpu.memory_space<hbm>>
        tpu.enqueue_indirect_dma source(%dma_start3A_40 : memref<10000x128xf32, #tpu.memory_space<hbm>>) target(%arg8 : memref<128x128xf32, #tpu.memory_space<vmem>>) offsets(%dma_start3A_37 : memref<128xi32, #tpu.memory_space<vmem>>) semaphore(%run_scoped3A : memref<!tpu.dma_semaphore, #tpu.memory_space<semaphore_mem>>)
        %dma_wait3A = arith.constant 0 : i32
        %dma_wait3A_41 = tpu.memref_slice %arg6[%scan3A_35, %dma_wait3A] : memref<79x128xi32, #tpu.memory_space<vmem>> -> memref<1x128xi32, #tpu.memory_space<vmem>>
        %dma_wait3A_42 = tpu.memref_squeeze %dma_wait3A_41 : memref<1x128xi32, #tpu.memory_space<vmem>> -> memref<128xi32, #tpu.memory_space<vmem>>
        %dma_wait3A_43 = arith.constant 0 : i32
        %dma_wait3A_44 = arith.constant 0 : i32
        %dma_wait3A_45 = tpu.memref_slice %arg2[%dma_wait3A_43, %dma_wait3A_44] : memref<10000x128xf32, #tpu.memory_space<hbm>> -> memref<10000x128xf32, #tpu.memory_space<hbm>>
        tpu.wait_indirect_dma semaphore(%run_scoped3A : memref<!tpu.dma_semaphore, #tpu.memory_space<semaphore_mem>>) src(%dma_wait3A_45 : memref<10000x128xf32, #tpu.memory_space<hbm>>) dst(%arg8 : memref<128x128xf32, #tpu.memory_space<vmem>>)
        tpu.yield
      }) : () -> ()
      "tpu.region"() ({
        %run_scoped3A = tpu.sem_alloc : memref<!tpu.dma_semaphore, #tpu.memory_space<semaphore_mem>>
        %dma_start3A = arith.constant 0 : i32
        %dma_start3A_36 = tpu.memref_slice %arg7[%scan3A_35, %dma_start3A] : memref<79x128xi32, #tpu.memory_space<vmem>> -> memref<1x128xi32, #tpu.memory_space<vmem>>
        %dma_start3A_37 = tpu.memref_squeeze %dma_start3A_36 : memref<1x128xi32, #tpu.memory_space<vmem>> -> memref<128xi32, #tpu.memory_space<vmem>>
        %dma_start3A_38 = arith.constant 0 : i32
        %dma_start3A_39 = arith.constant 0 : i32
        %dma_start3A_40 = tpu.memref_slice %arg9[%dma_start3A_38, %dma_start3A_39] : memref<10240x128xf32, #tpu.memory_space<vmem_shared>> -> memref<10240x128xf32, #tpu.memory_space<vmem_shared>>
        tpu.enqueue_indirect_dma source(%arg8 : memref<128x128xf32, #tpu.memory_space<vmem>>) target(%dma_start3A_40 : memref<10240x128xf32, #tpu.memory_space<vmem_shared>>) offsets(%dma_start3A_37 : memref<128xi32, #tpu.memory_space<vmem>>) semaphore(%run_scoped3A : memref<!tpu.dma_semaphore, #tpu.memory_space<semaphore_mem>>) {add = true}
        %dma_wait3A = arith.constant 0 : i32
        %dma_wait3A_41 = tpu.memref_slice %arg7[%scan3A_35, %dma_wait3A] : memref<79x128xi32, #tpu.memory_space<vmem>> -> memref<1x128xi32, #tpu.memory_space<vmem>>
        %dma_wait3A_42 = tpu.memref_squeeze %dma_wait3A_41 : memref<1x128xi32, #tpu.memory_space<vmem>> -> memref<128xi32, #tpu.memory_space<vmem>>
        %dma_wait3A_43 = arith.constant 0 : i32
        %dma_wait3A_44 = arith.constant 0 : i32
        %dma_wait3A_45 = tpu.memref_slice %arg9[%dma_wait3A_43, %dma_wait3A_44] : memref<10240x128xf32, #tpu.memory_space<vmem_shared>> -> memref<10240x128xf32, #tpu.memory_space<vmem_shared>>
        tpu.wait_indirect_dma semaphore(%run_scoped3A : memref<!tpu.dma_semaphore, #tpu.memory_space<semaphore_mem>>) src(%arg8 : memref<128x128xf32, #tpu.memory_space<vmem>>) dst(%dma_wait3A_45 : memref<10240x128xf32, #tpu.memory_space<vmem_shared>>)
        tpu.yield
      }) : () -> ()
    }
    %scan3A_29 = arith.constant 79 : i32
    %barrier3A_30 = arith.constant 0 : index
    tpu.barrier barrier_id(%barrier3A_30)
    %mul3A_31 = arith.constant 640 : i32
    %mul3A_32 = arith.muli %arg1, %mul3A_31 : i32
    %mul3A_33 = arith.constant 640 : i32
    %mul3A_34 = arith.muli %arg1, %mul3A_33 : i32
    "tpu.region"() ({
      %run_scoped3A = tpu.sem_alloc : memref<!tpu.dma_semaphore, #tpu.memory_space<semaphore_mem>>
      %dma_start3A = arith.constant 0 : i32
      %dma_start3A_35 = arith.constant 0 : i32
      %dma_start3A_36 = tpu.memref_slice %arg5[%arg0, %dma_start3A, %dma_start3A_35] : memref<2x10240x128xf32, #tpu.memory_space<hbm>> -> memref<1x10240x128xf32, #tpu.memory_space<hbm>>
      %dma_start3A_37 = tpu.memref_squeeze %dma_start3A_36 : memref<1x10240x128xf32, #tpu.memory_space<hbm>> -> memref<10240x128xf32, #tpu.memory_space<hbm>>
      %dma_start3A_38 = arith.constant 0 : i32
      %dma_start3A_39 = tpu.memref_slice %dma_start3A_37[%mul3A_34, %dma_start3A_38] : memref<10240x128xf32, #tpu.memory_space<hbm>> -> memref<640x128xf32, #tpu.memory_space<hbm>>
      %dma_start3A_40 = arith.constant 0 : i32
      %dma_start3A_41 = tpu.memref_slice %arg9[%mul3A_32, %dma_start3A_40] : memref<10240x128xf32, #tpu.memory_space<vmem_shared>> -> memref<640x128xf32, #tpu.memory_space<vmem_shared>>
      tpu.enqueue_dma source(%dma_start3A_41 : memref<640x128xf32, #tpu.memory_space<vmem_shared>>) target(%dma_start3A_39 : memref<640x128xf32, #tpu.memory_space<hbm>>) target_semaphore(%run_scoped3A : memref<!tpu.dma_semaphore, #tpu.memory_space<semaphore_mem>>)
      %dma_wait3A = arith.constant 0 : i32
      %dma_wait3A_42 = arith.constant 0 : i32
      %dma_wait3A_43 = tpu.memref_slice %arg5[%arg0, %dma_wait3A, %dma_wait3A_42] : memref<2x10240x128xf32, #tpu.memory_space<hbm>> -> memref<1x10240x128xf32, #tpu.memory_space<hbm>>
      %dma_wait3A_44 = tpu.memref_squeeze %dma_wait3A_43 : memref<1x10240x128xf32, #tpu.memory_space<hbm>> -> memref<10240x128xf32, #tpu.memory_space<hbm>>
      %dma_wait3A_45 = arith.constant 0 : i32
      %dma_wait3A_46 = tpu.memref_slice %dma_wait3A_44[%mul3A_34, %dma_wait3A_45] : memref<10240x128xf32, #tpu.memory_space<hbm>> -> memref<640x128xf32, #tpu.memory_space<hbm>>
      %dma_wait3A_47 = arith.constant 0 : i32
      %dma_wait3A_48 = tpu.memref_slice %arg9[%mul3A_32, %dma_wait3A_47] : memref<10240x128xf32, #tpu.memory_space<vmem_shared>> -> memref<640x128xf32, #tpu.memory_space<vmem_shared>>
      tpu.wait_dma2 semaphore(%run_scoped3A : memref<!tpu.dma_semaphore, #tpu.memory_space<semaphore_mem>>) src(%dma_wait3A_48 : memref<640x128xf32, #tpu.memory_space<vmem_shared>>) dst(%dma_wait3A_46 : memref<640x128xf32, #tpu.memory_space<hbm>>)
      tpu.yield
    }) : () -> ()
    return
  }
}

#map = affine_map<(d0, d1) -> (0)>
#map1 = affine_map<(d0, d1) -> (0, 0)>
module attributes {stable_mosaic.version = 14 : i64} {
  func.func @_sc_sagg_body(%arg0: i32, %arg1: i32, %arg2: memref<10000xf32, #tpu.memory_space<hbm>>, %arg3: memref<32x10112xi32, #tpu.memory_space<hbm>>, %arg4: memref<32x10112xi32, #tpu.memory_space<hbm>>, %arg5: memref<32x10240xf32, #tpu.memory_space<hbm>>, %arg6: memref<10000xf32, #tpu.memory_space<vmem>>, %arg7: memref<10112xi32, #tpu.memory_space<vmem>>, %arg8: memref<10112xi32, #tpu.memory_space<vmem>>, %arg9: memref<10240xf32, #tpu.memory_space<vmem>>) attributes {dimension_semantics = [#tpu.dimension_semantics<core_parallel>, #tpu.dimension_semantics<subcore_parallel>], iteration_bounds = array<i64: 2, 16>, scalar_prefetch = 0 : i64, scratch_operands = 4 : i64, tpu.core_type = #tpu.core_type<sc_vector_subcore>, window_params = [{transform_indices = #map}, {transform_indices = #map1}, {transform_indices = #map1}, {transform_indices = #map1}]} {
    %mul3A = arith.constant 2 : i32
    %mul3A_0 = arith.muli %arg1, %mul3A : i32
    %add3A = arith.addi %mul3A_0, %arg0 : i32
    "tpu.region"() ({
      %run_scoped3A = tpu.sem_alloc : memref<!tpu.dma_semaphore, #tpu.memory_space<semaphore_mem>>
      tpu.enqueue_dma source(%arg2 : memref<10000xf32, #tpu.memory_space<hbm>>) target(%arg6 : memref<10000xf32, #tpu.memory_space<vmem>>) target_semaphore(%run_scoped3A : memref<!tpu.dma_semaphore, #tpu.memory_space<semaphore_mem>>)
      tpu.wait_dma2 semaphore(%run_scoped3A : memref<!tpu.dma_semaphore, #tpu.memory_space<semaphore_mem>>) src(%arg2 : memref<10000xf32, #tpu.memory_space<hbm>>) dst(%arg6 : memref<10000xf32, #tpu.memory_space<vmem>>)
      tpu.yield
    }) : () -> ()
    "tpu.region"() ({
      %run_scoped3A = tpu.sem_alloc : memref<!tpu.dma_semaphore, #tpu.memory_space<semaphore_mem>>
      %dma_start3A = arith.constant 0 : i32
      %dma_start3A_10 = tpu.memref_slice %arg3[%add3A, %dma_start3A] : memref<32x10112xi32, #tpu.memory_space<hbm>> -> memref<1x10112xi32, #tpu.memory_space<hbm>>
      %dma_start3A_11 = tpu.memref_squeeze %dma_start3A_10 : memref<1x10112xi32, #tpu.memory_space<hbm>> -> memref<10112xi32, #tpu.memory_space<hbm>>
      %dma_start3A_12 = arith.constant 0 : i32
      %dma_start3A_13 = tpu.memref_slice %arg3[%add3A, %dma_start3A_12] : memref<32x10112xi32, #tpu.memory_space<hbm>> -> memref<1x10112xi32, #tpu.memory_space<hbm>>
      %dma_start3A_14 = tpu.memref_squeeze %dma_start3A_13 : memref<1x10112xi32, #tpu.memory_space<hbm>> -> memref<10112xi32, #tpu.memory_space<hbm>>
      tpu.enqueue_dma source(%dma_start3A_14 : memref<10112xi32, #tpu.memory_space<hbm>>) target(%arg7 : memref<10112xi32, #tpu.memory_space<vmem>>) target_semaphore(%run_scoped3A : memref<!tpu.dma_semaphore, #tpu.memory_space<semaphore_mem>>)
      %dma_wait3A = arith.constant 0 : i32
      %dma_wait3A_15 = tpu.memref_slice %arg3[%add3A, %dma_wait3A] : memref<32x10112xi32, #tpu.memory_space<hbm>> -> memref<1x10112xi32, #tpu.memory_space<hbm>>
      %dma_wait3A_16 = tpu.memref_squeeze %dma_wait3A_15 : memref<1x10112xi32, #tpu.memory_space<hbm>> -> memref<10112xi32, #tpu.memory_space<hbm>>
      %dma_wait3A_17 = arith.constant 0 : i32
      %dma_wait3A_18 = tpu.memref_slice %arg3[%add3A, %dma_wait3A_17] : memref<32x10112xi32, #tpu.memory_space<hbm>> -> memref<1x10112xi32, #tpu.memory_space<hbm>>
      %dma_wait3A_19 = tpu.memref_squeeze %dma_wait3A_18 : memref<1x10112xi32, #tpu.memory_space<hbm>> -> memref<10112xi32, #tpu.memory_space<hbm>>
      tpu.wait_dma2 semaphore(%run_scoped3A : memref<!tpu.dma_semaphore, #tpu.memory_space<semaphore_mem>>) src(%dma_wait3A_19 : memref<10112xi32, #tpu.memory_space<hbm>>) dst(%arg7 : memref<10112xi32, #tpu.memory_space<vmem>>)
      tpu.yield
    }) : () -> ()
    "tpu.region"() ({
      %run_scoped3A = tpu.sem_alloc : memref<!tpu.dma_semaphore, #tpu.memory_space<semaphore_mem>>
      %dma_start3A = arith.constant 0 : i32
      %dma_start3A_10 = tpu.memref_slice %arg4[%add3A, %dma_start3A] : memref<32x10112xi32, #tpu.memory_space<hbm>> -> memref<1x10112xi32, #tpu.memory_space<hbm>>
      %dma_start3A_11 = tpu.memref_squeeze %dma_start3A_10 : memref<1x10112xi32, #tpu.memory_space<hbm>> -> memref<10112xi32, #tpu.memory_space<hbm>>
      %dma_start3A_12 = arith.constant 0 : i32
      %dma_start3A_13 = tpu.memref_slice %arg4[%add3A, %dma_start3A_12] : memref<32x10112xi32, #tpu.memory_space<hbm>> -> memref<1x10112xi32, #tpu.memory_space<hbm>>
      %dma_start3A_14 = tpu.memref_squeeze %dma_start3A_13 : memref<1x10112xi32, #tpu.memory_space<hbm>> -> memref<10112xi32, #tpu.memory_space<hbm>>
      tpu.enqueue_dma source(%dma_start3A_14 : memref<10112xi32, #tpu.memory_space<hbm>>) target(%arg8 : memref<10112xi32, #tpu.memory_space<vmem>>) target_semaphore(%run_scoped3A : memref<!tpu.dma_semaphore, #tpu.memory_space<semaphore_mem>>)
      %dma_wait3A = arith.constant 0 : i32
      %dma_wait3A_15 = tpu.memref_slice %arg4[%add3A, %dma_wait3A] : memref<32x10112xi32, #tpu.memory_space<hbm>> -> memref<1x10112xi32, #tpu.memory_space<hbm>>
      %dma_wait3A_16 = tpu.memref_squeeze %dma_wait3A_15 : memref<1x10112xi32, #tpu.memory_space<hbm>> -> memref<10112xi32, #tpu.memory_space<hbm>>
      %dma_wait3A_17 = arith.constant 0 : i32
      %dma_wait3A_18 = tpu.memref_slice %arg4[%add3A, %dma_wait3A_17] : memref<32x10112xi32, #tpu.memory_space<hbm>> -> memref<1x10112xi32, #tpu.memory_space<hbm>>
      %dma_wait3A_19 = tpu.memref_squeeze %dma_wait3A_18 : memref<1x10112xi32, #tpu.memory_space<hbm>> -> memref<10112xi32, #tpu.memory_space<hbm>>
      tpu.wait_dma2 semaphore(%run_scoped3A : memref<!tpu.dma_semaphore, #tpu.memory_space<semaphore_mem>>) src(%dma_wait3A_19 : memref<10112xi32, #tpu.memory_space<hbm>>) dst(%arg8 : memref<10112xi32, #tpu.memory_space<vmem>>)
      tpu.yield
    }) : () -> ()
    %scan3A = arith.constant 0 : i32
    %scan3A_1 = arith.constant 640 : i32
    %scan3A_2 = arith.addi %scan3A, %scan3A_1 : i32
    %scan3A_3 = arith.constant 1 : i32
    scf.for %scan3A_10 = %scan3A to %scan3A_2 step %scan3A_3  : i32 {
      %broadcast_in_dim3A = arith.constant 0.000000e+00 : f32
      %broadcast_in_dim3A_11 = vector.broadcast %broadcast_in_dim3A : f32 to vector<16xf32>
      %mul3A_12 = arith.constant 16 : i32
      %mul3A_13 = arith.muli %scan3A_10, %mul3A_12 : i32
      %swap3A = arith.index_cast %mul3A_13 : i32 to index
      %swap3A_14 = tpu.vector_load %arg9[%swap3A] {strides = array<i32>} : memref<10240xf32, #tpu.memory_space<vmem>>, vector<16xf32>,
      tpu.vector_store %arg9[%swap3A], %broadcast_in_dim3A_11 {strides = array<i32>} : memref<10240xf32, #tpu.memory_space<vmem>>, vector<16xf32>,
    }
    %scan3A_4 = arith.constant 640 : i32
    %scan3A_5 = arith.constant 0 : i32
    %scan3A_6 = arith.constant 632 : i32
    %scan3A_7 = arith.addi %scan3A_5, %scan3A_6 : i32
    %scan3A_8 = arith.constant 1 : i32
    scf.for %scan3A_10 = %scan3A_5 to %scan3A_7 step %scan3A_8  : i32 {
      %mul3A_11 = arith.constant 16 : i32
      %mul3A_12 = arith.muli %scan3A_10, %mul3A_11 : i32
      %get3A = arith.index_cast %mul3A_12 : i32 to index
      %get3A_13 = tpu.vector_load %arg7[%get3A] {strides = array<i32>} : memref<10112xi32, #tpu.memory_space<vmem>>, vector<16xi32>,
      %mul3A_14 = arith.constant 16 : i32
      %mul3A_15 = arith.muli %scan3A_10, %mul3A_14 : i32
      %get3A_16 = arith.index_cast %mul3A_15 : i32 to index
      %get3A_17 = tpu.vector_load %arg8[%get3A_16] {strides = array<i32>} : memref<10112xi32, #tpu.memory_space<vmem>>, vector<16xi32>,
      %gather3A = tpu.vector_load_idx %arg6[%get3A_13] : memref<10000xf32, #tpu.memory_space<vmem>>[vector<16xi32>], vector<16xf32>,
      tpu.vector_store_idx %arg9[%get3A_17], %gather3A {add = true} : memref<10240xf32, #tpu.memory_space<vmem>>[vector<16xi32>], vector<16xf32>,
    }
    %scan3A_9 = arith.constant 632 : i32
    "tpu.region"() ({
      %run_scoped3A = tpu.sem_alloc : memref<!tpu.dma_semaphore, #tpu.memory_space<semaphore_mem>>
      %dma_start3A = arith.constant 0 : i32
      %dma_start3A_10 = tpu.memref_slice %arg5[%add3A, %dma_start3A] : memref<32x10240xf32, #tpu.memory_space<hbm>> -> memref<1x10240xf32, #tpu.memory_space<hbm>>
      %dma_start3A_11 = tpu.memref_squeeze %dma_start3A_10 : memref<1x10240xf32, #tpu.memory_space<hbm>> -> memref<10240xf32, #tpu.memory_space<hbm>>
      %dma_start3A_12 = arith.constant 0 : i32
      %dma_start3A_13 = tpu.memref_slice %arg5[%add3A, %dma_start3A_12] : memref<32x10240xf32, #tpu.memory_space<hbm>> -> memref<1x10240xf32, #tpu.memory_space<hbm>>
      %dma_start3A_14 = tpu.memref_squeeze %dma_start3A_13 : memref<1x10240xf32, #tpu.memory_space<hbm>> -> memref<10240xf32, #tpu.memory_space<hbm>>
      tpu.enqueue_dma source(%arg9 : memref<10240xf32, #tpu.memory_space<vmem>>) target(%dma_start3A_14 : memref<10240xf32, #tpu.memory_space<hbm>>) target_semaphore(%run_scoped3A : memref<!tpu.dma_semaphore, #tpu.memory_space<semaphore_mem>>)
      %dma_wait3A = arith.constant 0 : i32
      %dma_wait3A_15 = tpu.memref_slice %arg5[%add3A, %dma_wait3A] : memref<32x10240xf32, #tpu.memory_space<hbm>> -> memref<1x10240xf32, #tpu.memory_space<hbm>>
      %dma_wait3A_16 = tpu.memref_squeeze %dma_wait3A_15 : memref<1x10240xf32, #tpu.memory_space<hbm>> -> memref<10240xf32, #tpu.memory_space<hbm>>
      %dma_wait3A_17 = arith.constant 0 : i32
      %dma_wait3A_18 = tpu.memref_slice %arg5[%add3A, %dma_wait3A_17] : memref<32x10240xf32, #tpu.memory_space<hbm>> -> memref<1x10240xf32, #tpu.memory_space<hbm>>
      %dma_wait3A_19 = tpu.memref_squeeze %dma_wait3A_18 : memref<1x10240xf32, #tpu.memory_space<hbm>> -> memref<10240xf32, #tpu.memory_space<hbm>>
      tpu.wait_dma2 semaphore(%run_scoped3A : memref<!tpu.dma_semaphore, #tpu.memory_space<semaphore_mem>>) src(%arg9 : memref<10240xf32, #tpu.memory_space<vmem>>) dst(%dma_wait3A_19 : memref<10240xf32, #tpu.memory_space<hbm>>)
      tpu.yield
    }) : () -> ()
    return
  }
}

module attributes {stable_mosaic.version = 14 : i64} {
  func.func @_tc_dinv_body(%arg0: memref<32x10240xf32, #tpu.memory_space<vmem>>, %arg1: memref<10240xf32, #tpu.memory_space<vmem>>) attributes {dimension_semantics = [], scalar_prefetch = 0 : i64, scratch_operands = 0 : i64, tpu.core_type = #tpu.core_type<tc>} {
    %get3A = arith.constant 0 : index
    %get3A_0 = arith.constant 0 : index
    %get3A_1 = vector.load %arg0[%get3A, %get3A_0] : memref<32x10240xf32, #tpu.memory_space<vmem>>, vector<32x10240xf32>
    %reduce_sum3A = arith.constant dense<0.000000e+00> : vector<10240xf32>
    %reduce_sum3A_2 = vector.multi_reduction <add>, %get3A_1, %reduce_sum3A [0] : vector<32x10240xf32> to vector<10240xf32>
    %add3A = arith.constant 1.000000e+00 : f32
    %add3A_3 = vector.broadcast %add3A : f32 to vector<10240xf32>
    %add3A_4 = arith.addf %reduce_sum3A_2, %add3A_3 : vector<10240xf32>
    %rsqrt3A = math.rsqrt %add3A_4 : vector<10240xf32>
    %swap3A = arith.constant 0 : index
    %swap3A_5 = vector.load %arg1[%swap3A] : memref<10240xf32, #tpu.memory_space<vmem>>, vector<10240xf32>
    tpu.vector_store %arg1[%swap3A], %rsqrt3A {strides = array<i32>} : memref<10240xf32, #tpu.memory_space<vmem>>, vector<10240xf32>,
    return
  }
}

module attributes {stable_mosaic.version = 14 : i64} {
  func.func @_tc_mm1_body(%arg0: memref<10000x128xf32, #tpu.memory_space<vmem>>, %arg1: memref<128x128xf32, #tpu.memory_space<vmem>>, %arg2: memref<10240xf32, #tpu.memory_space<vmem>>, %arg3: memref<10000x128xf32, #tpu.memory_space<vmem>>) attributes {dimension_semantics = [], scalar_prefetch = 0 : i64, scratch_operands = 0 : i64, tpu.core_type = #tpu.core_type<tc>} {
    %get3A = arith.constant 0 : index
    %get3A_0 = arith.constant 0 : index
    %get3A_1 = vector.load %arg0[%get3A, %get3A_0] : memref<10000x128xf32, #tpu.memory_space<vmem>>, vector<10000x128xf32>
    %get3A_2 = arith.constant 0 : index
    %get3A_3 = arith.constant 0 : index
    %get3A_4 = vector.load %arg1[%get3A_2, %get3A_3] : memref<128x128xf32, #tpu.memory_space<vmem>>, vector<128x128xf32>
    %dot_general3A = arith.constant dense<0.000000e+00> : vector<10000x128xf32>
    %dot_general3A_5 = tpu.matmul %get3A_1, %get3A_4, %dot_general3A {dimension_numbers = #tpu.dot_dimension_numbers<[1], [0], [0], [1], [0, 0, 1, 1], [], []>, transpose_lhs_hint = false} : vector<10000x128xf32>, vector<128x128xf32>, vector<10000x128xf32> -> vector<10000x128xf32>
    %get3A_6 = arith.constant 0 : index
    %get3A_7 = vector.load %arg2[%get3A_6] : memref<10240xf32, #tpu.memory_space<vmem>>, vector<10000xf32>
    %broadcast_in_dim3A = vector.shape_cast %get3A_7 : vector<10000xf32> to vector<10000x1xf32>
    %mul3A = vector.broadcast %broadcast_in_dim3A : vector<10000x1xf32> to vector<10000x128xf32>
    %mul3A_8 = arith.mulf %dot_general3A_5, %mul3A : vector<10000x128xf32>
    %swap3A = arith.constant 0 : index
    %swap3A_9 = arith.constant 0 : index
    %swap3A_10 = vector.load %arg3[%swap3A, %swap3A_9] : memref<10000x128xf32, #tpu.memory_space<vmem>>, vector<10000x128xf32>
    tpu.vector_store %arg3[%swap3A, %swap3A_9], %mul3A_8 {strides = array<i32>} : memref<10000x128xf32, #tpu.memory_space<vmem>>, vector<10000x128xf32>,
    return
  }
}

module attributes {stable_mosaic.version = 14 : i64} {
  func.func @_tc_mm2_body(%arg0: memref<2x10240x128xf32, #tpu.memory_space<vmem>>, %arg1: memref<10000x128xf32, #tpu.memory_space<vmem>>, %arg2: memref<10240xf32, #tpu.memory_space<vmem>>, %arg3: memref<128xf32, #tpu.memory_space<vmem>>, %arg4: memref<128x1xf32, #tpu.memory_space<vmem>>, %arg5: memref<10000xf32, #tpu.memory_space<vmem>>) attributes {dimension_semantics = [], scalar_prefetch = 0 : i64, scratch_operands = 0 : i64, tpu.core_type = #tpu.core_type<tc>} {
    %get3A = arith.constant 0 : index
    %get3A_0 = vector.load %arg2[%get3A] : memref<10240xf32, #tpu.memory_space<vmem>>, vector<10000xf32>
    %get3A_1 = arith.constant 0 : index
    %get3A_2 = arith.constant 0 : index
    %get3A_3 = arith.constant 0 : index
    %get3A_4 = vector.load %arg0[%get3A_1, %get3A_2, %get3A_3] : memref<2x10240x128xf32, #tpu.memory_space<vmem>>, vector<1x10000x128xf32>
    %get3A_5 = vector.shape_cast %get3A_4 : vector<1x10000x128xf32> to vector<10000x128xf32>
    %get3A_6 = arith.constant 1 : index
    %get3A_7 = arith.constant 0 : index
    %get3A_8 = arith.constant 0 : index
    %get3A_9 = vector.load %arg0[%get3A_6, %get3A_7, %get3A_8] : memref<2x10240x128xf32, #tpu.memory_space<vmem>>, vector<1x10000x128xf32>
    %get3A_10 = vector.shape_cast %get3A_9 : vector<1x10000x128xf32> to vector<10000x128xf32>
    %add3A = arith.addf %get3A_5, %get3A_10 : vector<10000x128xf32>
    %get3A_11 = arith.constant 0 : index
    %get3A_12 = arith.constant 0 : index
    %get3A_13 = vector.load %arg1[%get3A_11, %get3A_12] : memref<10000x128xf32, #tpu.memory_space<vmem>>, vector<10000x128xf32>
    %add3A_14 = arith.addf %add3A, %get3A_13 : vector<10000x128xf32>
    %broadcast_in_dim3A = vector.shape_cast %get3A_0 : vector<10000xf32> to vector<10000x1xf32>
    %mul3A = vector.broadcast %broadcast_in_dim3A : vector<10000x1xf32> to vector<10000x128xf32>
    %mul3A_15 = arith.mulf %add3A_14, %mul3A : vector<10000x128xf32>
    %get3A_16 = arith.constant 0 : index
    %get3A_17 = vector.load %arg3[%get3A_16] : memref<128xf32, #tpu.memory_space<vmem>>, vector<128xf32>
    %broadcast_in_dim3A_18 = vector.shape_cast %get3A_17 : vector<128xf32> to vector<1x128xf32>
    %add3A_19 = vector.broadcast %broadcast_in_dim3A_18 : vector<1x128xf32> to vector<10000x128xf32>
    %add3A_20 = arith.addf %mul3A_15, %add3A_19 : vector<10000x128xf32>
    %max3A = arith.constant 0.000000e+00 : f32
    %max3A_21 = vector.broadcast %max3A : f32 to vector<10000x128xf32>
    %max3A_22 = arith.maximumf %add3A_20, %max3A_21 : vector<10000x128xf32>
    %get3A_23 = arith.constant 0 : index
    %get3A_24 = arith.constant 0 : index
    %get3A_25 = vector.load %arg4[%get3A_23, %get3A_24] : memref<128x1xf32, #tpu.memory_space<vmem>>, vector<128x1xf32>
    %get3A_26 = vector.shape_cast %get3A_25 : vector<128x1xf32> to vector<128xf32>
    %broadcast_in_dim3A_27 = vector.shape_cast %get3A_26 : vector<128xf32> to vector<1x128xf32>
    %mul3A_28 = vector.broadcast %broadcast_in_dim3A_27 : vector<1x128xf32> to vector<10000x128xf32>
    %mul3A_29 = arith.mulf %max3A_22, %mul3A_28 : vector<10000x128xf32>
    %reduce_sum3A = arith.constant dense<0.000000e+00> : vector<10000xf32>
    %reduce_sum3A_30 = vector.multi_reduction <add>, %mul3A_29, %reduce_sum3A [1] : vector<10000x128xf32> to vector<10000xf32>
    %mul3A_31 = arith.mulf %reduce_sum3A_30, %get3A_0 : vector<10000xf32>
    %swap3A = arith.constant 0 : index
    %swap3A_32 = vector.load %arg5[%swap3A] : memref<10000xf32, #tpu.memory_space<vmem>>, vector<10000xf32>
    tpu.vector_store %arg5[%swap3A], %mul3A_31 {strides = array<i32>} : memref<10000xf32, #tpu.memory_space<vmem>>, vector<10000xf32>,
    return
  }
}

module attributes {stable_mosaic.version = 14 : i64} {
  func.func @_tc_fin_body(%arg0: memref<32x10240xf32, #tpu.memory_space<vmem>>, %arg1: memref<10000xf32, #tpu.memory_space<vmem>>, %arg2: memref<10240xf32, #tpu.memory_space<vmem>>, %arg3: memref<1xf32, #tpu.memory_space<vmem>>, %arg4: memref<10000x1xf32, #tpu.memory_space<vmem>>) attributes {dimension_semantics = [], scalar_prefetch = 0 : i64, scratch_operands = 0 : i64, tpu.core_type = #tpu.core_type<tc>} {
    %get3A = arith.constant 0 : index
    %get3A_0 = arith.constant 0 : index
    %get3A_1 = vector.load %arg0[%get3A, %get3A_0] : memref<32x10240xf32, #tpu.memory_space<vmem>>, vector<32x10240xf32>
    %reduce_sum3A = arith.constant dense<0.000000e+00> : vector<10240xf32>
    %reduce_sum3A_2 = vector.multi_reduction <add>, %get3A_1, %reduce_sum3A [0] : vector<32x10240xf32> to vector<10240xf32>
    %slice3A = vector.extract_strided_slice %reduce_sum3A_2 {offsets = [0], sizes = [10000], strides = [1]} : vector<10240xf32> to vector<10000xf32>
    %get3A_3 = arith.constant 0 : index
    %get3A_4 = vector.load %arg1[%get3A_3] : memref<10000xf32, #tpu.memory_space<vmem>>, vector<10000xf32>
    %add3A = arith.addf %slice3A, %get3A_4 : vector<10000xf32>
    %get3A_5 = arith.constant 0 : index
    %get3A_6 = vector.load %arg2[%get3A_5] : memref<10240xf32, #tpu.memory_space<vmem>>, vector<10000xf32>
    %mul3A = arith.mulf %add3A, %get3A_6 : vector<10000xf32>
    %get3A_7 = arith.constant 0 : index
    %get3A_8 = vector.load %arg3[%get3A_7] : memref<1xf32, #tpu.memory_space<vmem>>, vector<1xf32>
    %get3A_9 = vector.extract %get3A_8[0] : f32 from vector<1xf32>
    %add3A_10 = vector.broadcast %get3A_9 : f32 to vector<10000xf32>
    %add3A_11 = arith.addf %mul3A, %add3A_10 : vector<10000xf32>
    %broadcast_in_dim3A = vector.shape_cast %add3A_11 : vector<10000xf32> to vector<10000x1xf32>
    %swap3A = arith.constant 0 : index
    %swap3A_12 = arith.constant 0 : index
    %swap3A_13 = vector.load %arg4[%swap3A, %swap3A_12] : memref<10000x1xf32, #tpu.memory_space<vmem>>, vector<10000x1xf32>
    tpu.vector_store %arg4[%swap3A, %swap3A_12], %broadcast_in_dim3A {strides = array<i32>} : memref<10000x1xf32, #tpu.memory_space<vmem>>, vector<10000x1xf32>,
    return
  }
}

</mosaic_0001>

<sc_bundles>
// kernel: kernel.12.cloned.1.call-start
scs
__scs_entry_jumppad:
0x0: {  	(pc) =	sbr.rel $0x88, $3  }
0x1: {  	(tag) =	ssettag $0x0;
	lr =	simm.s32 $0x1  }
0x2: {  	[smem:$0x3F9B] =	sst lr;
	_ =	strace $0xD0000000  }
0x3: {  	_ = 	snop  }
0x4: {  	_ = 	snop  }
0x5: {  	_ = 	snop  }
0x6: {  	_ = 	snop  }
0x7: {  	_ = 	snop  }
__scs_overlays_trampoline_lowered:
0x8: {  	[smem:$0x3FAA] =	sst s0  }
0x9: {  	[smem:$0x3FAB] =	sst s1  }
0xa: {  	[smem:$0x3FAC] =	sst s2  }
0xb: {  	[smem:$0x3FAD] =	sst s3  }
0xc: {  	[smem:$0x3FAE] =	sst s4  }
0xd: {  	[smem:$0x3FAF] =	sst s5  }
0xe: {  	[smem:$0x3FB0] =	sst s6  }
0xf: {  	[smem:$0x3FB1] =	sst s7  }
0x10: {  	[smem:$0x3FB2] =	sst s8  }
0x11: {  	[smem:$0x3FB3] =	sst s9;
	s0 =	simm.s32 @!p0 $0x0  }
0x12: {  	s1 =	sld [smem:$0x3F99];
	s0 =	simm.s32 @p0 $0x1  }
0x13: {  	[smem:$0x3FB4] =	sst s0;
	s0 =	simm.s32 @!p1 $0x0  }
0x14: {  	s2 =	sld [smem:$0x3F98];
	s0 =	simm.s32 @p1 $0x1  }
0x15: {  	[smem:$0x3FB5] =	sst s0;
	s0 =	simm.s32 @!p2 $0x0  }
0x16: {  	s3 =	sld [smem:$0x3FDB];
	s0 =	simm.s32 @p2 $0x1  }
0x17: {  	s4 =	simm.s32 $0x1BF5;
	[smem:$0x3FB7] =	sst s0  }
0x18: {  	s0 =	sld [smem:$0x3F9A];
	_ =	swait.ge [sflag:s4], $0x0  }
0x19: {  	s7 =	sld [smem:$0x3F9B]  }
0x1a: {  	s8 =	sadd.s32 $0xFFFFE003, lr  }
0x1b: {  	s9 =	sadd.s32 $0xFFFFFEF7, lr;
	s5 =	simm.s32 $0xFFFFFFFF;
	p2 =	slt.u32 s8, $0xFFFFF086  }
0x1c: {  	p1 =	slt.u32 s9, $0xF7A;
	s5 =	simm.s32 @!p2 $0x0  }
0x1d: {  	s5 =	simm.s32 @p1 $0x1;
	p0 =	seq.s32 s7, s2  }
0x1e: {  	s7 =	smul.u32 @!p0 $0xF7A, s2;
	p2 =	seq.s32 @!p0 s5, $0x0  }
0x1f: {  	s9 =	smul.u32 $0xF7A, s1;
	s8 =	simm.s32 @!p0 $0x1BF5;
	p2 =	por !p2, p0  }
0x20: {  	[sflag:s8] =	ssyncset.s32 @!p0 $0xFFFFF086;
	s6 =	sadd.s32 @!p0 s3, s7;
	s7 =	simm.s32 @!p0 $0x108  }
0x21: {  	s3 =	sadd.s32 s3, s9;
	s6 =	sadd.s32 @!p0 $0x88, s6;
	s7 =	simm.s32 @p2 $0x1082  }
0x22: {  	[simem:s7], [sflag:s8] =	dma.local @!p0 [hbm:s6], $0xF7A  }
0x23: {  	s9 =	sor.u32 $0xD0000000, s2;
	s6 =	simm.s32 $0x108;
	_ =	swait.ge @!p0 [sflag:s8], $0x0  }
0x24: {  	s3 =	sadd.s32 $0x88, s3;
	s6 =	simm.s32 @!p1 $0x1082;
	[sflag:s4] =	ssyncset.s32 $0xFFFFF086  }
0x25: {  	[simem:s6], [sflag:s4] =	dma.local [hbm:s3], $0xF7A  }
0x26: {  	[smem:$0x3F9B] =	sst s1;
	(tag) =	ssettag s2;
	_ =	strace s9  }
0x27: {  	s1 =	sld [smem:$0x3FAB]  }
0x28: {  	s2 =	sld [smem:$0x3FAC]  }
0x29: {  	s4 =	sld [smem:$0x3FAE]  }
0x2a: {  	p0 =	seq.s32 s5, $0x0;
	s5 =	sld [smem:$0x3FAF]  }
0x2b: {  	s6 =	sld [smem:$0x3FB0]  }
0x2c: {  	s7 =	sld [smem:$0x3FB1]  }
0x2d: {  	s3 =	simm.s32 $0x108;
	s8 =	sld [smem:$0x3FB2]  }
0x2e: {  	s3 =	simm.s32 @!p0 $0x1082;
	s9 =	sld [smem:$0x3FB3]  }
0x2f: {  	lr =	sadd.s32 s0, s3;
	s0 =	sld [smem:$0x3FAA]  }
0x30: {  	s3 =	sld [smem:$0x3FAD]  }
0x31: {  	[smem:$0x3FB6] =	sst s10  }
0x32: {  	s10 =	sld [smem:$0x3FB4];
	_ =	sdelay $0x3  }
0x33: {  	p0 =	seq.s32 s10, $0x1;
	s10 =	sld [smem:$0x3FB6];
	_ =	sdelay $0x3  }
0x34: {  	[smem:$0x3FB6] =	sst s10  }
0x35: {  	s10 =	sld [smem:$0x3FB5];
	_ =	sdelay $0x3  }
0x36: {  	p1 =	seq.s32 s10, $0x1;
	s10 =	sld [smem:$0x3FB6];
	_ =	sdelay $0x3  }
0x37: {  	[smem:$0x3FB6] =	sst s10  }
0x38: {  	s10 =	sld [smem:$0x3FB7]  }
0x39: {  	_ = 	snop;
	(pc) =	sbr.ind lr, $3  }
0x3a: {  	_ = 	snop  }
0x3b: {  	_ = 	snop  }
0x3c: {  	p2 =	seq.s32 s10, $0x1;
	s10 =	sld [smem:$0x3FB6]  }
0x3d: {  	_ =	shalt  }
0x3e: {  	_ =	shalt  }
0x3f: {  	_ =	shalt  }
0x40: {  	_ =	shalt  }
0x41: {  	_ =	shalt  }
0x42: {  	_ =	shalt  }
0x43: {  	_ =	shalt  }
0x44: {  	_ =	shalt  }
0x45: {  	_ =	shalt  }
0x46: {  	_ =	shalt  }
0x47: {  	_ =	shalt  }
0x48: {  	_ =	shalt  }
0x49: {  	_ =	shalt  }
0x4a: {  	_ =	shalt  }
0x4b: {  	_ =	shalt  }
0x4c: {  	_ =	shalt  }
0x4d: {  	_ =	shalt  }
0x4e: {  	_ =	shalt  }
0x4f: {  	_ =	shalt  }
0x50: {  	_ =	shalt  }
0x51: {  	_ =	shalt  }
0x52: {  	_ =	shalt  }
0x53: {  	_ =	shalt  }
0x54: {  	_ =	shalt  }
0x55: {  	_ =	shalt  }
0x56: {  	_ =	shalt  }
0x57: {  	_ =	shalt  }
0x58: {  	_ =	shalt  }
0x59: {  	_ =	shalt  }
0x5a: {  	_ =	shalt  }
0x5b: {  	_ =	shalt  }
0x5c: {  	_ =	shalt  }
0x5d: {  	_ =	shalt  }
0x5e: {  	_ =	shalt  }
0x5f: {  	_ =	shalt  }
0x60: {  	_ =	shalt  }
0x61: {  	_ =	shalt  }
0x62: {  	_ =	shalt  }
0x63: {  	_ =	shalt  }
0x64: {  	_ =	shalt  }
0x65: {  	_ =	shalt  }
0x66: {  	_ =	shalt  }
0x67: {  	_ =	shalt  }
0x68: {  	_ =	shalt  }
0x69: {  	_ =	shalt  }
0x6a: {  	_ =	shalt  }
0x6b: {  	_ =	shalt  }
0x6c: {  	_ =	shalt  }
0x6d: {  	_ =	shalt  }
0x6e: {  	_ =	shalt  }
0x6f: {  	_ =	shalt  }
0x70: {  	_ =	shalt  }
0x71: {  	_ =	shalt  }
0x72: {  	_ =	shalt  }
0x73: {  	_ =	shalt  }
0x74: {  	_ =	shalt  }
0x75: {  	_ =	shalt  }
0x76: {  	_ =	shalt  }
0x77: {  	_ =	shalt  }
0x78: {  	_ =	shalt  }
0x79: {  	_ =	shalt  }
0x7a: {  	_ =	shalt  }
0x7b: {  	_ =	shalt  }
0x7c: {  	_ =	shalt  }
0x7d: {  	_ =	shalt  }
0x7e: {  	_ =	shalt  }
0x7f: {  	_ =	shalt  }
0x80: {  	_ =	shalt  }
0x81: {  	_ =	shalt  }
0x82: {  	_ =	shalt  }
0x83: {  	_ =	shalt  }
0x84: {  	_ =	shalt  }
0x85: {  	_ =	shalt  }
0x86: {  	_ =	shalt  }
0x87: {  	_ =	shalt  }
.Lfunc_end0:
.L_simem_size_0:
called_computation.1_lowered:
.L_overlay_start_0:
0x88: {  	s2 =	sld [smem:$0x3FD9]  }
0x89: {  	s3 =	sld [smem:$0x3FFE];
	_ =	sdelay $0x1  }
0x8a: {  	s1 =	srdreg.scid  }
0x8b: {  	s0 =	sand.u32 $0x1, s1  }
0x8c: {  	s16 =	sshll.u32 s0, $0xA;
	s2 =	sadd.s32 s3, s2  }
0x8d: {  	s2 =	sadd.s32 s2, s16  }
0x8e: {  	[smem:$0x3FC2] =	sst s2  }
0x8f: {  	_ = 	snop  }
0x90: {  	(tm) =	ssettm $0x1  }
0x91: {  	s17 =	sld [smem:$0x3FFB];
	_ =	sdelay $0x3  }
0x92: {  	_ =	strace s17  }
0x93: {  	s2 =	sld [smem:$0x3FFC];
	_ =	sdelay $0x3  }
0x94: {  	_ =	strace s2  }
0x95: {  	s2 =	sld [smem:$0x3FFD];
	_ =	sdelay $0x3  }
0x96: {  	_ =	strace s2  }
0x97: {  	_ =	strace $0x8FFFFFFF  }
0x98: {  	s18 =	sld [smem:$0x3FDB];
	_ =	sdelay $0x1  }
0x99: {  	s19 =	simm.s32 $_scs_section_size  }
0x9a: {  	s4 =	simm.s32 $_size__tile_overlayer_lowered;
	s5 =	simm.s32 $_tile_overlayer_lowered  }
0x9b: {  	s22 =	simm.s32 $0x1BFF;
	s21 =	sshll.u32 s5, $0x1;
	s2 =	sadd.s32 s19, s18  }
0x9c: {  	s6 =	simm.s32 $0x0;
	s20 =	sshll.u32 s4, $0x1;
	s4 =	sadd.s32 s21, s2  }
0x9d: {  	[timem:s6], [sflag:s22] =	dma.local [hbm:s4], s20  }
0x9e: {  	_ =	swait.ge [sflag:s22], s20  }
0x9f: {  	s3 =	ssub.s32 $0x0, s20;
	[sflag:s22] =	ssyncset.done $0x0  }
0xa0: {  	[sflag:s22] =	ssyncadd.s32 s3;
	_ =	sdelay $0x1  }
0xa1: {  	s23 =	simm.s32 $0x1B8B  }
0xa2: {  	_ =	swait.ge [sflag:s23], $0x1  }
0xa3: {  	[sflag:s23] =	ssyncset.done $0x0  }
0xa4: {  	s25 =	simm.s32 $0x1B8E;
	s24 =	sld [smem:$0x3FFE];
	[sflag:s23] =	ssyncadd.s32 $0xFFFFFFFF  }
0xa5: {  	s26 =	simm.s32 $execute0_lowered;
	[smem:$0x3FD2] =	sst s25  }
0xa6: {  	s4 =	sshll.u32 s26, $0x1;
	_ =	strace $0x80000049;
	[dreg:$0x1] =	wrdreg $0xFFFFFFFF  }
0xa7: {  	s28 =	simm.s32 $_size_execute0_lowered;
	s2 =	sadd.s32 s2, s4;
	[dreg:$0x0] =	wrdreg $0x0  }
0xa8: {  	s4 =	sshll.u32 s28, $0x1;
	[dreg:$0x2] =	wrdreg s2  }
0xa9: {  	[dreg:$0x3] =	wrdreg s4  }
0xaa: {  	[dreg:$0x4] =	wrdreg $0xC0  }
0xab: {  	_ =	task [dreg:s6], $0x5FFFF  }
0xac: {  	[dreg:$0x1] =	wrdreg $0xFFFFFFFF  }
0xad: {  	[dreg:$0x0] =	wrdreg $0x60  }
0xae: {  	[dreg:$0x2] =	wrdreg s24  }
0xaf: {  	[dreg:$0x3] =	wrdreg $0x90000  }
0xb0: {  	[dreg:$0x4] =	wrdreg $0x9  }
0xb1: {  	_ =	task.clear_ibuf [dreg:s6], $0x5FFFF;
	_ =	strace $0x90000049  }
0xb2: {  	s29 =	simm.s32 $0x9;
	_ =	strace $0x8000004B  }
0xb3: {  	_ =	swait.ge [sflag:s29], $0x1  }
0xb4: {  	[sflag:s29] =	ssyncadd.s32 $0xFFFFFFFF  }
0xb5: {  	_ =	strace $0x9000004B  }
0xb6: {  	_ =	sfence  }
0xb7: {  	s30 =	sld [smem:$0x0];
	_ =	sdelay $0x2  }
0xb8: {  	s31 =	sshll.u32 s1, $0xD;
	s1 =	sshrl.u32 s1, $0x2  }
0xb9: {  	s3 =	sand.u32 $0x4000, s31;
	s1 =	sadd.s32 s1, s30  }
0xba: {  	s0 =	sor.u32 s3, s0;
	s1 =	sshll.u32 s1, $0x11  }
0xbb: {  	s0 =	sor.u32 s1, s0  }
0xbc: {  	s0 =	sadd.s32 $0x8F2B, s0  }
0xbd: {  	[sflag:s0] =	ssyncadd.remote.s32 $0x1  }
0xbe: {  	_ =	sfence.sel $0xFFFF  }
0xbf: {  	[dreg:$0x0] =	wrdreg $0xFFFFFFFF;
	(pc) =	sbr.abs _section_cstart, $3  }
0xc0: {  	[dreg:$0x1] =	wrdreg $0xFFFFFFFF  }
0xc1: {  	_ =	task.clear_ibuf [dreg:s6], $0x2FFFF;
	_ =	strace $0x9FFFFFFF  }
0xc2: {  	(tm) =	ssettm $0x7FFFFFFF  }
0xc3: {  	_ =	shalt  }
tec
execute0_lowered:
.L_overlay_start_1:
0x0: {  	(tag) =	ssettag $0x1  }
0x1: {  	s5 =	rddreg [dreg:$0x0];
	s1 =	srdreg.scid  }
0x2: {  	s0 =	stileid.u32;
	s2 =	rddreg [dreg:$0x1]  }
0x3: {  	s3 =	simm.s32 $0x0;
	s14 =	simm.s32 $0x2800;
	s15 =	simm.s32 $0x5000  }
0x4: {  	s16 =	simm.s32 $0x80;
	s20 =	simm.s32 $0x0;
	s6 =	sand.u32 $0x1, s1  }
0x5: {  	s4 =	sshll.u32 s0, $0x1;
	s1 =	rddreg [dreg:$0x2];
	s8 =	smul.u32 $0x50000, s0  }
0x6: {  	[smem:$0x7FF] =	sst s3;
	s18 =	smul.u32 $0x2800, s0;
	s31 =	sshll.u32 s0, $0x6  }
0x7: {  	s4 =	sor.u32 s6, s4;
	_ =	strace $0x8000004A;
	s9 =	smul.u32 $0x28000, s6  }
0x8: {  	s6 =	ssub.s32 $0x2, s6;
	s7 =	smul.u32 $0x500, s4;
	s4 =	sadd.s32 $0x29E00, s5  }
0x9: {  	s10 =	sshrl.u32 s6, $0x1;
	s8 =	sshrl.u32 s8, $0x2;
	s12 =	sadd.s32 s9, s5  }
0xa: {  	s13 =	ssub.s32 s6, s10;
	s7 =	sadd.s32 s7, s5;
	s5 =	sadd.s32 s8, s2  }
0xb: {  	s17 =	sadd.s32 $0x51000, s12;
	s12 =	smax.u32 s13, $0x1;
	s13 =	simm.s32 $0x1  }
0xc: {  	s6 =	sadd.s32 $0x1FE00, s7;
	s7 =	sadd.s32 $0x15E00, s7;
	s8 =	sadd.s32 $0x4000, s5  }
0xd: {  	s9 =	sadd.s32 $0x8000, s5;
	s10 =	sadd.s32 $0xC000, s5;
	s11 =	sadd.s32 $0x10000, s5  }
0xe: {  	v0 =	vimm.f32 $0.0e+00;
	s17 =	sadd.s32 s18, s17;
	s18 =	sor.u32 $0x1C01, s31;
	s19 =	sshrl.u32 s5, $0x3  }
.LBB2_1:
0xf: {  	[tilespmem:s3], [sflag:$0x1] =	stream.linear.gather [hbm4b:s6+s3], $0x2780, $0x38;
	[tilespmem:$0x1D000] =	vst v63  }
0x10: {  	_ =	swait.ge [sflag:s13], $0x2780  }
0x11: {  	[sflag:s13] =	ssyncset.done $0x0  }
0x12: {  	[sflag:s13] =	ssyncadd.s32 $0xFFFFD880  }
0x13: {  	[tilespmem:s14], [sflag:$0x1] =	stream.linear.gather [hbm4b:s7+s3], $0x2780, $0x38;
	[tilespmem:$0x1D000] =	vst v63  }
0x14: {  	_ =	swait.ge [sflag:s13], $0x2780  }
0x15: {  	[sflag:s13] =	ssyncset.done $0x0  }
0x16: {  	s21 =	simm.s32 $0x0;
	s22 =	simm.s32 $0x200;
	[sflag:s13] =	ssyncadd.s32 $0xFFFFD880  }
.LBB2_2:
0x17: {  	p0 =	sne.s32 s22, $0xFE00;
	[tilespmem:s21+$0x5070] =	vst v0  }
0x18: {  	[tilespmem:s21+$0x5000] =	vst v0  }
0x19: {  	[tilespmem:s21+$0x5010] =	vst v0  }
.Ltmp0:
0x1a: {  	[tilespmem:s21+$0x5020] =	vst v0;
	(pc) =	sbr.rel @p0 .LBB2_2-.Ltmp0, $4  }
0x1b: {  	[tilespmem:s21+$0x5030] =	vst v0  }
0x1c: {  	[tilespmem:s21+$0x5040] =	vst v0  }
0x1d: {  	[tilespmem:s21+$0x5050] =	vst v0  }
0x1e: {  	[tilespmem:s21+$0x5060] =	vst v0;
	s21 =	sshra.s32 s22, $0x2;
	s22 =	sadd.s32 $0x200, s22  }
0x1f: {  	[tilespmem:s21+$0x5070] =	vst v0  }
0x20: {  	[tilespmem:s21+$0x5000] =	vst v0  }
0x21: {  	[tilespmem:s21+$0x5010] =	vst v0  }
0x22: {  	[tilespmem:s21+$0x5020] =	vst v0  }
0x23: {  	[tilespmem:s21+$0x5030] =	vst v0  }
0x24: {  	[tilespmem:s21+$0x5040] =	vst v0  }
0x25: {  	[tilespmem:s21+$0x5050] =	vst v0  }
0x26: {  	[tilespmem:s21+$0x5060] =	vst v0  }
0x27: {  	[spmem:s5] =	stream.linear.scatter [tilespmem:s15], [sflag:$0x1], $0x4000, $0x38;
	[tilespmem:$0x1D000] =	vst v63  }
0x28: {  	_ =	swait.ge [sflag:s13], $0x4000  }
0x29: {  	[sflag:s13] =	ssyncset.done $0x0  }
0x2a: {  	[sflag:s13] =	ssyncadd.s32 $0xFFFFC000  }
0x2b: {  	[spmem:s8] =	stream.linear.scatter [tilespmem:s15], [sflag:$0x1], $0x4000, $0x38;
	[tilespmem:$0x1D000] =	vst v63  }
0x2c: {  	_ =	swait.ge [sflag:s13], $0x4000  }
0x2d: {  	[sflag:s13] =	ssyncset.done $0x0  }
0x2e: {  	[sflag:s13] =	ssyncadd.s32 $0xFFFFC000  }
0x2f: {  	[spmem:s9] =	stream.linear.scatter [tilespmem:s15], [sflag:$0x1], $0x4000, $0x38;
	[tilespmem:$0x1D000] =	vst v63  }
0x30: {  	_ =	swait.ge [sflag:s13], $0x4000  }
0x31: {  	[sflag:s13] =	ssyncset.done $0x0  }
0x32: {  	[sflag:s13] =	ssyncadd.s32 $0xFFFFC000  }
0x33: {  	[spmem:s10] =	stream.linear.scatter [tilespmem:s15], [sflag:$0x1], $0x4000, $0x38;
	[tilespmem:$0x1D000] =	vst v63  }
0x34: {  	_ =	swait.ge [sflag:s13], $0x4000  }
0x35: {  	[sflag:s13] =	ssyncset.done $0x0  }
0x36: {  	[sflag:s13] =	ssyncadd.s32 $0xFFFFC000  }
0x37: {  	[spmem:s11] =	stream.linear.scatter [tilespmem:s15], [sflag:$0x1], $0x4000, $0x38;
	[tilespmem:$0x1D000] =	vst v63  }
0x38: {  	_ =	swait.ge [sflag:s13], $0x4000  }
0x39: {  	[sflag:s13] =	ssyncset.done $0x0  }
0x3a: {  	[sflag:s13] =	ssyncadd.s32 $0xFFFFC000  }
0x3b: {  	s30 =	simm.s32 $0x0;
	[bflag:$0x0] =	sbarrier.arrive $0xFFFF  }
0x3c: {  	[tilespmem:s15], [sflag:$0x1] =	stream.indirect.gather [hbm4b:s4+s16], $0x80, s30, s16, $0xb8;
	[tilespmem:$0x1D000] =	vst v63  }
0x3d: {  	_ =	swait.ge [sflag:s13], $0x4000  }
0x3e: {  	[sflag:s13] =	ssyncset.done $0x0  }
0x3f: {  	s31 =	simm.s32 $0x2800;
	[sflag:s13] =	ssyncadd.s32 $0xFFFFC000  }
0x40: {  	[spmem:s2] =	stream.indirect.scatter.add.f32 [tilespmem:s15], [sflag:$0x1], $0x80, s31, s16, $0xb8;
	[tilespmem:$0x1D000] =	vst v63  }
0x41: {  	_ =	swait.ge [sflag:s13], $0x4000  }
0x42: {  	s21 =	simm.s32 $0x200;
	s22 =	simm.s32 $0x400;
	[sflag:s13] =	ssyncset.done $0x0  }
.LBB2_4:
0x43: {  	s23 =	sshra.s32 s21, $0x2  }
0x44: {  	[sflag:s13] =	ssyncadd.s32 $0xFFFFC000;
	s21 =	smov.u32 s22;
	s24 =	sadd.s32 $0x200, s22  }
0x45: {  	[tilespmem:s15], [sflag:$0x1] =	stream.indirect.gather [hbm4b:s4+s16], $0x80, s23, s16, $0xb8;
	[tilespmem:$0x1D000] =	vst v63  }
0x46: {  	p0 =	sne.s32 s22, $0x9C00;
	_ =	swait.ge [sflag:s13], $0x4000  }
.Ltmp1:
0x47: {  	[sflag:s13] =	ssyncset.done $0x0;
	(pc) =	sbr.rel @p0 .LBB2_4-.Ltmp1, $4  }
0x48: {  	s22 =	sadd.s32 $0x2800, s23;
	[sflag:s13] =	ssyncadd.s32 $0xFFFFC000  }
0x49: {  	[spmem:s2] =	stream.indirect.scatter.add.f32 [tilespmem:s15], [sflag:$0x1], $0x80, s22, s16, $0xb8;
	[tilespmem:$0x1D000] =	vst v63  }
0x4a: {  	_ =	swait.ge [sflag:s13], $0x4000  }
0x4b: {  	s22 =	smov.u32 s24;
	[sflag:s13] =	ssyncset.done $0x0  }
0x4c: {  	s21 =	sshra.s32 s21, $0x2;
	[sflag:s13] =	ssyncadd.s32 $0xFFFFC000  }
0x4d: {  	[tilespmem:s15], [sflag:$0x1] =	stream.indirect.gather [hbm4b:s4+s16], $0x80, s21, s16, $0xb8;
	[tilespmem:$0x1D000] =	vst v63  }
0x4e: {  	_ =	swait.ge [sflag:s13], $0x4000  }
0x4f: {  	[sflag:s13] =	ssyncset.done $0x0  }
0x50: {  	s21 =	sadd.s32 $0x2800, s21;
	[sflag:s13] =	ssyncadd.s32 $0xFFFFC000  }
0x51: {  	[spmem:s2] =	stream.indirect.scatter.add.f32 [tilespmem:s15], [sflag:$0x1], $0x80, s21, s16, $0xb8;
	[tilespmem:$0x1D000] =	vst v63  }
0x52: {  	_ =	swait.ge [sflag:s13], $0x4000  }
0x53: {  	s20 =	sadd.s32 $0x1, s20;
	[sflag:s13] =	ssyncset.done $0x0  }
0x54: {  	p0 =	sne.s32 s20, s12;
	[sflag:s13] =	ssyncadd.s32 $0xFFFFC000  }
.Ltmp2:
0x55: {  	[bflag:$0x0] =	sbarrier.arrive $0xFFFF;
	(pc) =	sbr.rel @p0 .LBB2_1-.Ltmp2, $4  }
0x56: {  	[hbm:s17], [sflag:s18] =	dma.local [spmem:s19], $0x2800  }
0x57: {  	_ =	swait.ge [sflag:s13], $0x2800  }
0x58: {  	[sflag:s13] =	ssyncset.done $0x0  }
0x59: {  	[sflag:s13] =	ssyncadd.s32 $0xFFFFD800  }
0x5a: {  	_ =	sfence.sel $0x180000  }
0x5b: {  	[bflag:$0x0] =	sbarrier.arrive $0xFFFF  }
0x5c: {  	p0 =	sne.s32 s0, $0x0;
	_ =	strace $0x9000004A  }
0x5d: {  	s0 =	sadd.s32 @!p0 $0x100000, s1;
	[bflag:$0x2] =	sbarrier.arrive $0xFFFF  }
0x5e: {  	[sflag:s0] =	ssyncadd.tile.s32 @!p0 $0x1;
	_ =	shalt  }
.Lfunc_end2:
_tile_overlayer_lowered:
.L_overlay_start_2:
0x5f: {  	(tag) =	ssettag $0x2  }
0x60: {  	s0 =	rddreg [dreg:$0x0];
	s2 =	stileid.u32  }
0x61: {  	s1 =	rddreg [dreg:$0x1];
	p0 =	sne.s32 s2, $0x0  }
0x62: {  	s3 =	rddreg [dreg:$0x2];
	[bflag:$0x3] =	sbarrier.arrive $0xFFFF;
	s2 =	simm.s32 @!p0 $0x1C01  }
0x63: {  	[timem:s3], [sflag:s2] =	dma.local @!p0 [hbm:s0], s1  }
0x64: {  	s0 =	simm.s32 @!p0 $0x1  }
0x65: {  	_ =	swait.ge @!p0 [sflag:s0], s1  }
0x66: {  	s1 =	ssub.s32 @!p0 $0x0, s1;
	[sflag:s0] =	ssyncset.done @!p0 $0x0  }
0x67: {  	[sflag:s0] =	ssyncadd.s32 @!p0 s1  }
0x68: {  	[bflag:$0x3] =	sbarrier.arrive $0xFFFF  }
0x69: {  	_ =	shalt  }

// kernel: kernel.15.cloned.1.call-start
scs
__scs_entry_jumppad:
0x0: {  	(pc) =	sbr.rel $0x88, $3  }
0x1: {  	(tag) =	ssettag $0x0;
	lr =	simm.s32 $0x1  }
0x2: {  	[smem:$0x3F9B] =	sst lr;
	_ =	strace $0xD0000000  }
0x3: {  	_ = 	snop  }
0x4: {  	_ = 	snop  }
0x5: {  	_ = 	snop  }
0x6: {  	_ = 	snop  }
0x7: {  	_ = 	snop  }
__scs_overlays_trampoline_lowered:
0x8: {  	[smem:$0x3FAA] =	sst s0  }
0x9: {  	[smem:$0x3FAB] =	sst s1  }
0xa: {  	[smem:$0x3FAC] =	sst s2  }
0xb: {  	[smem:$0x3FAD] =	sst s3  }
0xc: {  	[smem:$0x3FAE] =	sst s4  }
0xd: {  	[smem:$0x3FAF] =	sst s5  }
0xe: {  	[smem:$0x3FB0] =	sst s6  }
0xf: {  	[smem:$0x3FB1] =	sst s7  }
0x10: {  	[smem:$0x3FB2] =	sst s8  }
0x11: {  	[smem:$0x3FB3] =	sst s9;
	s0 =	simm.s32 @!p0 $0x0  }
0x12: {  	s1 =	sld [smem:$0x3F99];
	s0 =	simm.s32 @p0 $0x1  }
0x13: {  	[smem:$0x3FB4] =	sst s0;
	s0 =	simm.s32 @!p1 $0x0  }
0x14: {  	s2 =	sld [smem:$0x3F98];
	s0 =	simm.s32 @p1 $0x1  }
0x15: {  	[smem:$0x3FB5] =	sst s0;
	s0 =	simm.s32 @!p2 $0x0  }
0x16: {  	s3 =	sld [smem:$0x3FDB];
	s0 =	simm.s32 @p2 $0x1  }
0x17: {  	s4 =	simm.s32 $0x1BF5;
	[smem:$0x3FB7] =	sst s0  }
0x18: {  	s0 =	sld [smem:$0x3F9A];
	_ =	swait.ge [sflag:s4], $0x0  }
0x19: {  	s7 =	sld [smem:$0x3F9B]  }
0x1a: {  	s8 =	sadd.s32 $0xFFFFE003, lr  }
0x1b: {  	s9 =	sadd.s32 $0xFFFFFEF7, lr;
	s5 =	simm.s32 $0xFFFFFFFF;
	p2 =	slt.u32 s8, $0xFFFFF086  }
0x1c: {  	p1 =	slt.u32 s9, $0xF7A;
	s5 =	simm.s32 @!p2 $0x0  }
0x1d: {  	s5 =	simm.s32 @p1 $0x1;
	p0 =	seq.s32 s7, s2  }
0x1e: {  	s7 =	smul.u32 @!p0 $0xF7A, s2;
	p2 =	seq.s32 @!p0 s5, $0x0  }
0x1f: {  	s9 =	smul.u32 $0xF7A, s1;
	s8 =	simm.s32 @!p0 $0x1BF5;
	p2 =	por !p2, p0  }
0x20: {  	[sflag:s8] =	ssyncset.s32 @!p0 $0xFFFFF086;
	s6 =	sadd.s32 @!p0 s3, s7;
	s7 =	simm.s32 @!p0 $0x108  }
0x21: {  	s3 =	sadd.s32 s3, s9;
	s6 =	sadd.s32 @!p0 $0x88, s6;
	s7 =	simm.s32 @p2 $0x1082  }
0x22: {  	[simem:s7], [sflag:s8] =	dma.local @!p0 [hbm:s6], $0xF7A  }
0x23: {  	s9 =	sor.u32 $0xD0000000, s2;
	s6 =	simm.s32 $0x108;
	_ =	swait.ge @!p0 [sflag:s8], $0x0  }
0x24: {  	s3 =	sadd.s32 $0x88, s3;
	s6 =	simm.s32 @!p1 $0x1082;
	[sflag:s4] =	ssyncset.s32 $0xFFFFF086  }
0x25: {  	[simem:s6], [sflag:s4] =	dma.local [hbm:s3], $0xF7A  }
0x26: {  	[smem:$0x3F9B] =	sst s1;
	(tag) =	ssettag s2;
	_ =	strace s9  }
0x27: {  	s1 =	sld [smem:$0x3FAB]  }
0x28: {  	s2 =	sld [smem:$0x3FAC]  }
0x29: {  	s4 =	sld [smem:$0x3FAE]  }
0x2a: {  	p0 =	seq.s32 s5, $0x0;
	s5 =	sld [smem:$0x3FAF]  }
0x2b: {  	s6 =	sld [smem:$0x3FB0]  }
0x2c: {  	s7 =	sld [smem:$0x3FB1]  }
0x2d: {  	s3 =	simm.s32 $0x108;
	s8 =	sld [smem:$0x3FB2]  }
0x2e: {  	s3 =	simm.s32 @!p0 $0x1082;
	s9 =	sld [smem:$0x3FB3]  }
0x2f: {  	lr =	sadd.s32 s0, s3;
	s0 =	sld [smem:$0x3FAA]  }
0x30: {  	s3 =	sld [smem:$0x3FAD]  }
0x31: {  	[smem:$0x3FB6] =	sst s10  }
0x32: {  	s10 =	sld [smem:$0x3FB4];
	_ =	sdelay $0x3  }
0x33: {  	p0 =	seq.s32 s10, $0x1;
	s10 =	sld [smem:$0x3FB6];
	_ =	sdelay $0x3  }
0x34: {  	[smem:$0x3FB6] =	sst s10  }
0x35: {  	s10 =	sld [smem:$0x3FB5];
	_ =	sdelay $0x3  }
0x36: {  	p1 =	seq.s32 s10, $0x1;
	s10 =	sld [smem:$0x3FB6];
	_ =	sdelay $0x3  }
0x37: {  	[smem:$0x3FB6] =	sst s10  }
0x38: {  	s10 =	sld [smem:$0x3FB7]  }
0x39: {  	_ = 	snop;
	(pc) =	sbr.ind lr, $3  }
0x3a: {  	_ = 	snop  }
0x3b: {  	_ = 	snop  }
0x3c: {  	p2 =	seq.s32 s10, $0x1;
	s10 =	sld [smem:$0x3FB6]  }
0x3d: {  	_ =	shalt  }
0x3e: {  	_ =	shalt  }
0x3f: {  	_ =	shalt  }
0x40: {  	_ =	shalt  }
0x41: {  	_ =	shalt  }
0x42: {  	_ =	shalt  }
0x43: {  	_ =	shalt  }
0x44: {  	_ =	shalt  }
0x45: {  	_ =	shalt  }
0x46: {  	_ =	shalt  }
0x47: {  	_ =	shalt  }
0x48: {  	_ =	shalt  }
0x49: {  	_ =	shalt  }
0x4a: {  	_ =	shalt  }
0x4b: {  	_ =	shalt  }
0x4c: {  	_ =	shalt  }
0x4d: {  	_ =	shalt  }
0x4e: {  	_ =	shalt  }
0x4f: {  	_ =	shalt  }
0x50: {  	_ =	shalt  }
0x51: {  	_ =	shalt  }
0x52: {  	_ =	shalt  }
0x53: {  	_ =	shalt  }
0x54: {  	_ =	shalt  }
0x55: {  	_ =	shalt  }
0x56: {  	_ =	shalt  }
0x57: {  	_ =	shalt  }
0x58: {  	_ =	shalt  }
0x59: {  	_ =	shalt  }
0x5a: {  	_ =	shalt  }
0x5b: {  	_ =	shalt  }
0x5c: {  	_ =	shalt  }
0x5d: {  	_ =	shalt  }
0x5e: {  	_ =	shalt  }
0x5f: {  	_ =	shalt  }
0x60: {  	_ =	shalt  }
0x61: {  	_ =	shalt  }
0x62: {  	_ =	shalt  }
0x63: {  	_ =	shalt  }
0x64: {  	_ =	shalt  }
0x65: {  	_ =	shalt  }
0x66: {  	_ =	shalt  }
0x67: {  	_ =	shalt  }
0x68: {  	_ =	shalt  }
0x69: {  	_ =	shalt  }
0x6a: {  	_ =	shalt  }
0x6b: {  	_ =	shalt  }
0x6c: {  	_ =	shalt  }
0x6d: {  	_ =	shalt  }
0x6e: {  	_ =	shalt  }
0x6f: {  	_ =	shalt  }
0x70: {  	_ =	shalt  }
0x71: {  	_ =	shalt  }
0x72: {  	_ =	shalt  }
0x73: {  	_ =	shalt  }
0x74: {  	_ =	shalt  }
0x75: {  	_ =	shalt  }
0x76: {  	_ =	shalt  }
0x77: {  	_ =	shalt  }
0x78: {  	_ =	shalt  }
0x79: {  	_ =	shalt  }
0x7a: {  	_ =	shalt  }
0x7b: {  	_ =	shalt  }
0x7c: {  	_ =	shalt  }
0x7d: {  	_ =	shalt  }
0x7e: {  	_ =	shalt  }
0x7f: {  	_ =	shalt  }
0x80: {  	_ =	shalt  }
0x81: {  	_ =	shalt  }
0x82: {  	_ =	shalt  }
0x83: {  	_ =	shalt  }
0x84: {  	_ =	shalt  }
0x85: {  	_ =	shalt  }
0x86: {  	_ =	shalt  }
0x87: {  	_ =	shalt  }
.Lfunc_end0:
.L_simem_size_0:
called_computation.2_lowered:
.L_overlay_start_0:
0x88: {  	s2 =	sld [smem:$0x3FD9]  }
0x89: {  	s3 =	sld [smem:$0x3FFE];
	_ =	sdelay $0x1  }
0x8a: {  	s1 =	srdreg.scid  }
0x8b: {  	s0 =	sand.u32 $0x1, s1  }
0x8c: {  	s16 =	sshll.u32 s0, $0xA;
	s2 =	sadd.s32 s3, s2  }
0x8d: {  	s2 =	sadd.s32 s2, s16  }
0x8e: {  	[smem:$0x3FC2] =	sst s2  }
0x8f: {  	_ = 	snop  }
0x90: {  	(tm) =	ssettm $0x1  }
0x91: {  	s17 =	sld [smem:$0x3FFB];
	_ =	sdelay $0x3  }
0x92: {  	_ =	strace s17  }
0x93: {  	s2 =	sld [smem:$0x3FFC];
	_ =	sdelay $0x3  }
0x94: {  	_ =	strace s2  }
0x95: {  	s2 =	sld [smem:$0x3FFD];
	_ =	sdelay $0x3  }
0x96: {  	_ =	strace s2  }
0x97: {  	_ =	strace $0x8FFFFFFF  }
0x98: {  	s18 =	sld [smem:$0x3FDB];
	_ =	sdelay $0x1  }
0x99: {  	s19 =	simm.s32 $_scs_section_size  }
0x9a: {  	s4 =	simm.s32 $_size__tile_overlayer_lowered;
	s5 =	simm.s32 $_tile_overlayer_lowered  }
0x9b: {  	s22 =	simm.s32 $0x1BFF;
	s21 =	sshll.u32 s5, $0x1;
	s2 =	sadd.s32 s19, s18  }
0x9c: {  	s6 =	simm.s32 $0x0;
	s20 =	sshll.u32 s4, $0x1;
	s4 =	sadd.s32 s21, s2  }
0x9d: {  	[timem:s6], [sflag:s22] =	dma.local [hbm:s4], s20  }
0x9e: {  	_ =	swait.ge [sflag:s22], s20  }
0x9f: {  	s3 =	ssub.s32 $0x0, s20;
	[sflag:s22] =	ssyncset.done $0x0  }
0xa0: {  	[sflag:s22] =	ssyncadd.s32 s3;
	_ =	sdelay $0x1  }
0xa1: {  	s23 =	simm.s32 $0x1B8B  }
0xa2: {  	_ =	swait.ge [sflag:s23], $0x1  }
0xa3: {  	[sflag:s23] =	ssyncset.done $0x0  }
0xa4: {  	s25 =	simm.s32 $0x1B8E;
	s24 =	sld [smem:$0x3FFE];
	[sflag:s23] =	ssyncadd.s32 $0xFFFFFFFF  }
0xa5: {  	s26 =	simm.s32 $execute0_lowered;
	[smem:$0x3FD2] =	sst s25  }
0xa6: {  	s4 =	sshll.u32 s26, $0x1;
	_ =	strace $0x8000004C;
	[dreg:$0x1] =	wrdreg $0xFFFFFFFF  }
0xa7: {  	s28 =	simm.s32 $_size_execute0_lowered;
	s2 =	sadd.s32 s2, s4;
	[dreg:$0x0] =	wrdreg $0x0  }
0xa8: {  	s4 =	sshll.u32 s28, $0x1;
	[dreg:$0x2] =	wrdreg s2  }
0xa9: {  	[dreg:$0x3] =	wrdreg s4  }
0xaa: {  	[dreg:$0x4] =	wrdreg $0xC0  }
0xab: {  	_ =	task [dreg:s6], $0x5FFFF  }
0xac: {  	[dreg:$0x1] =	wrdreg $0xFFFFFFFF  }
0xad: {  	[dreg:$0x0] =	wrdreg $0x60  }
0xae: {  	[dreg:$0x2] =	wrdreg s24  }
0xaf: {  	[dreg:$0x3] =	wrdreg $0x9  }
0xb0: {  	_ =	task.clear_ibuf [dreg:s6], $0x4FFFF;
	_ =	strace $0x9000004C  }
0xb1: {  	s29 =	simm.s32 $0x9;
	_ =	strace $0x8000004E  }
0xb2: {  	_ =	swait.ge [sflag:s29], $0x1  }
0xb3: {  	[sflag:s29] =	ssyncadd.s32 $0xFFFFFFFF  }
0xb4: {  	_ =	strace $0x9000004E  }
0xb5: {  	_ =	sfence  }
0xb6: {  	s30 =	sld [smem:$0x0];
	_ =	sdelay $0x2  }
0xb7: {  	s31 =	sshll.u32 s1, $0xD;
	s1 =	sshrl.u32 s1, $0x2  }
0xb8: {  	s3 =	sand.u32 $0x4000, s31;
	s1 =	sadd.s32 s1, s30  }
0xb9: {  	s0 =	sor.u32 s3, s0;
	s1 =	sshll.u32 s1, $0x11  }
0xba: {  	s0 =	sor.u32 s1, s0  }
0xbb: {  	s0 =	sadd.s32 $0x8F2B, s0  }
0xbc: {  	[sflag:s0] =	ssyncadd.remote.s32 $0x1  }
0xbd: {  	_ =	sfence.sel $0xFFFF  }
0xbe: {  	[dreg:$0x0] =	wrdreg $0xFFFFFFFF;
	(pc) =	sbr.abs _section_cstart, $3  }
0xbf: {  	[dreg:$0x1] =	wrdreg $0xFFFFFFFF  }
0xc0: {  	_ =	task.clear_ibuf [dreg:s6], $0x2FFFF;
	_ =	strace $0x9FFFFFFF  }
0xc1: {  	(tm) =	ssettm $0x7FFFFFFF  }
tec
execute0_lowered:
.L_overlay_start_1:
0x0: {  	(tag) =	ssettag $0x1  }
0x1: {  	s4 =	rddreg [dreg:$0x0]  }
0x2: {  	s0 =	rddreg [dreg:$0x1];
	s2 =	simm.s32 $0x0  }
0x3: {  	s1 =	stileid.u32;
	s3 =	srdreg.scid;
	s10 =	simm.s32 $0x400  }
0x4: {  	s11 =	simm.s32 $0x2780;
	s12 =	simm.s32 $0x4F00;
	s13 =	simm.s32 $0x7680  }
0x5: {  	s14 =	simm.s32 $0x0;
	[smem:$0x7FF] =	sst s2;
	s5 =	sshrl.u32 s1, $0x2  }
0x6: {  	s6 =	sand.u32 $0x1, s3;
	s29 =	sshll.u32 s1, $0x8;
	s7 =	smul.u32 $0x13C00, s5  }
0x7: {  	s8 =	sshll.u32 s6, $0x7;
	s3 =	sand.u32 $0x300, s29;
	s5 =	smul.u32 $0x14000, s5  }
0x8: {  	_ =	strace $0x8000004D;
	s6 =	ssub.s32 $0x2, s6;
	s8 =	sor.u32 s8, s3  }
0x9: {  	s3 =	sadd.s32 $0x15C00, s4;
	s31 =	sshrl.u32 s6, $0x1;
	s7 =	sor.u32 s7, s8  }
0xa: {  	s5 =	sor.u32 s5, s8;
	s9 =	ssub.s32 s6, s31;
	s7 =	sshrl.u32 s7, $0x3  }
0xb: {  	s8 =	simm.s32 $0x1;
	s5 =	sshrl.u32 s5, $0x3;
	s7 =	sadd.s32 s7, s4  }
0xc: {  	s30 =	sadd.s32 s5, s4;
	s4 =	sadd.s32 $0xBE00, s7;
	s5 =	sadd.s32 $0x2000, s7  }
0xd: {  	v0 =	vimm.f32 $0.0e+00;
	s6 =	sadd.s32 $0x16200, s30;
	s7 =	smax.u32 s9, $0x1;
	s9 =	simm.s32 $0x80  }
.LBB2_1:
0xe: {  	[tilespmem:s2], [sflag:$0x1] =	stream.linear.gather [hbm4b:s3+s2], $0x2780, $0x38;
	[tilespmem:$0x9E80] =	vst v63  }
0xf: {  	_ =	swait.ge [sflag:s8], $0x2780  }
0x10: {  	[sflag:s8] =	ssyncset.done $0x0  }
0x11: {  	[sflag:s8] =	ssyncadd.s32 $0xFFFFD880  }
0x12: {  	[tilespmem:s11], [sflag:$0x1] =	stream.strided.gather [hbm4b:s4+s9], $0x2780, s10, s9, $0x38;
	[tilespmem:$0x9E80] =	vst v63  }
0x13: {  	_ =	swait.ge [sflag:s8], $0x2780  }
0x14: {  	[sflag:s8] =	ssyncset.done $0x0  }
0x15: {  	[sflag:s8] =	ssyncadd.s32 $0xFFFFD880  }
0x16: {  	[tilespmem:s12], [sflag:$0x1] =	stream.strided.gather [hbm4b:s5+s9], $0x2780, s10, s9, $0x38;
	[tilespmem:$0x9E80] =	vst v63  }
0x17: {  	_ =	swait.ge [sflag:s8], $0x2780  }
0x18: {  	[sflag:s8] =	ssyncset.done $0x0  }
0x19: {  	s15 =	simm.s32 $0x0;
	[sflag:s8] =	ssyncadd.s32 $0xFFFFD880  }
.LBB2_2:
0x1a: {  	p0 =	sne.s32 s15, $0x9FC0  }
.Ltmp0:
0x1b: {  	_ = 	snop;
	(pc) =	sbr.rel @p0 .LBB2_2-.Ltmp0, $3  }
0x1c: {  	_ =	sdelay $0x1  }
0x1d: {  	s16 =	sshra.s32 s15, $0x2  }
0x1e: {  	s15 =	sadd.s32 $0x40, s15;
	[tilespmem:s16+$0x7680] =	vst v0  }
0x1f: {  	s16 =	simm.s32 $0x0;
	s15 =	simm.s32 $0x40  }
.LBB2_4:
0x20: {  	p0 =	sne.s32 s15, $0x9DC0;
	v1 =	vld [tilespmem:s16+$0x2780];
	_ =	sdelay $0x5  }
0x21: {  	v2 =	vld [tilespmem:s16+$0x4F00];
	_ =	sdelay $0x1  }
0x22: {  	v1 =	vld.idx.msk [tilespmem:v1+s2+$0x0], $0xffff;
	_ =	sdelay $0x1  }
.Ltmp1:
0x23: {  	(pc) =	sbr.rel @p0 .LBB2_4-.Ltmp1, $2  }
0x24: {  	_ =	sdelay $0x2  }
0x25: {  	s16 =	sshra.s32 s15, $0x2;
	s15 =	sadd.s32 $0x40, s15;
	[tilespmem:v2+s13+$0x0] =	vst.idx.add.f32.msk $0xffff, v1  }
0x26: {  	v1 =	vld [tilespmem:s16+$0x2780];
	_ =	sdelay $0x4  }
0x27: {  	v2 =	vld [tilespmem:s16+$0x4F00];
	_ =	sdelay $0x2  }
0x28: {  	v1 =	vld.idx.msk [tilespmem:v1+s2+$0x0], $0xffff;
	_ =	sdelay $0x2  }
0x29: {  	s14 =	sadd.s32 $0x1, s14  }
0x2a: {  	p0 =	sne.s32 s14, s7  }
.Ltmp2:
0x2b: {  	[tilespmem:v2+s13+$0x0] =	vst.idx.add.f32.msk $0xffff, v1;
	(pc) =	sbr.rel @p0 .LBB2_1-.Ltmp2, $4  }
0x2c: {  	[hbm4b:s6+s9] =	stream.strided.scatter [tilespmem:s13], [sflag:$0x1], $0x2800, s10, s9, $0x38;
	[tilespmem:$0x9E80] =	vst v63  }
0x2d: {  	_ =	swait.ge [sflag:s8], $0x2800  }
0x2e: {  	[sflag:s8] =	ssyncset.done $0x0  }
0x2f: {  	[sflag:s8] =	ssyncadd.s32 $0xFFFFD800  }
0x30: {  	_ =	sfence.sel $0x180000  }
0x31: {  	[bflag:$0x0] =	sbarrier.arrive $0xFFFF  }
0x32: {  	p0 =	sne.s32 s1, $0x0;
	_ =	strace $0x9000004D  }
0x33: {  	s0 =	sadd.s32 @!p0 $0x100000, s0;
	[bflag:$0x2] =	sbarrier.arrive $0xFFFF  }
0x34: {  	[sflag:s0] =	ssyncadd.tile.s32 @!p0 $0x1;
	_ =	shalt  }
.Lfunc_end2:
_tile_overlayer_lowered:
.L_overlay_start_2:
0x35: {  	(tag) =	ssettag $0x2  }
0x36: {  	s0 =	rddreg [dreg:$0x0];
	s2 =	stileid.u32  }
0x37: {  	s1 =	rddreg [dreg:$0x1];
	p0 =	sne.s32 s2, $0x0  }
0x38: {  	s3 =	rddreg [dreg:$0x2];
	[bflag:$0x3] =	sbarrier.arrive $0xFFFF;
	s2 =	simm.s32 @!p0 $0x1C01  }
0x39: {  	[timem:s3], [sflag:s2] =	dma.local @!p0 [hbm:s0], s1  }
0x3a: {  	s0 =	simm.s32 @!p0 $0x1  }
0x3b: {  	_ =	swait.ge @!p0 [sflag:s0], s1  }
0x3c: {  	s1 =	ssub.s32 @!p0 $0x0, s1;
	[sflag:s0] =	ssyncset.done @!p0 $0x0  }
0x3d: {  	[sflag:s0] =	ssyncadd.s32 @!p0 s1  }
0x3e: {  	[bflag:$0x3] =	sbarrier.arrive $0xFFFF  }
0x3f: {  	_ =	shalt  }

// kernel: kernel.9.cloned.1.call-start
scs
__scs_entry_jumppad:
0x0: {  	(pc) =	sbr.rel $0x88, $3  }
0x1: {  	(tag) =	ssettag $0x0;
	lr =	simm.s32 $0x1  }
0x2: {  	[smem:$0x3F9B] =	sst lr;
	_ =	strace $0xD0000000  }
0x3: {  	_ = 	snop  }
0x4: {  	_ = 	snop  }
0x5: {  	_ = 	snop  }
0x6: {  	_ = 	snop  }
0x7: {  	_ = 	snop  }
__scs_overlays_trampoline_lowered:
0x8: {  	[smem:$0x3FAA] =	sst s0  }
0x9: {  	[smem:$0x3FAB] =	sst s1  }
0xa: {  	[smem:$0x3FAC] =	sst s2  }
0xb: {  	[smem:$0x3FAD] =	sst s3  }
0xc: {  	[smem:$0x3FAE] =	sst s4  }
0xd: {  	[smem:$0x3FAF] =	sst s5  }
0xe: {  	[smem:$0x3FB0] =	sst s6  }
0xf: {  	[smem:$0x3FB1] =	sst s7  }
0x10: {  	[smem:$0x3FB2] =	sst s8  }
0x11: {  	[smem:$0x3FB3] =	sst s9;
	s0 =	simm.s32 @!p0 $0x0  }
0x12: {  	s1 =	sld [smem:$0x3F99];
	s0 =	simm.s32 @p0 $0x1  }
0x13: {  	[smem:$0x3FB4] =	sst s0;
	s0 =	simm.s32 @!p1 $0x0  }
0x14: {  	s2 =	sld [smem:$0x3F98];
	s0 =	simm.s32 @p1 $0x1  }
0x15: {  	[smem:$0x3FB5] =	sst s0;
	s0 =	simm.s32 @!p2 $0x0  }
0x16: {  	s3 =	sld [smem:$0x3FDB];
	s0 =	simm.s32 @p2 $0x1  }
0x17: {  	s4 =	simm.s32 $0x1BF5;
	[smem:$0x3FB7] =	sst s0  }
0x18: {  	s0 =	sld [smem:$0x3F9A];
	_ =	swait.ge [sflag:s4], $0x0  }
0x19: {  	s7 =	sld [smem:$0x3F9B]  }
0x1a: {  	s8 =	sadd.s32 $0xFFFFE003, lr  }
0x1b: {  	s9 =	sadd.s32 $0xFFFFFEF7, lr;
	s5 =	simm.s32 $0xFFFFFFFF;
	p2 =	slt.u32 s8, $0xFFFFF086  }
0x1c: {  	p1 =	slt.u32 s9, $0xF7A;
	s5 =	simm.s32 @!p2 $0x0  }
0x1d: {  	s5 =	simm.s32 @p1 $0x1;
	p0 =	seq.s32 s7, s2  }
0x1e: {  	s7 =	smul.u32 @!p0 $0xF7A, s2;
	p2 =	seq.s32 @!p0 s5, $0x0  }
0x1f: {  	s9 =	smul.u32 $0xF7A, s1;
	s8 =	simm.s32 @!p0 $0x1BF5;
	p2 =	por !p2, p0  }
0x20: {  	[sflag:s8] =	ssyncset.s32 @!p0 $0xFFFFF086;
	s6 =	sadd.s32 @!p0 s3, s7;
	s7 =	simm.s32 @!p0 $0x108  }
0x21: {  	s3 =	sadd.s32 s3, s9;
	s6 =	sadd.s32 @!p0 $0x88, s6;
	s7 =	simm.s32 @p2 $0x1082  }
0x22: {  	[simem:s7], [sflag:s8] =	dma.local @!p0 [hbm:s6], $0xF7A  }
0x23: {  	s9 =	sor.u32 $0xD0000000, s2;
	s6 =	simm.s32 $0x108;
	_ =	swait.ge @!p0 [sflag:s8], $0x0  }
0x24: {  	s3 =	sadd.s32 $0x88, s3;
	s6 =	simm.s32 @!p1 $0x1082;
	[sflag:s4] =	ssyncset.s32 $0xFFFFF086  }
0x25: {  	[simem:s6], [sflag:s4] =	dma.local [hbm:s3], $0xF7A  }
0x26: {  	[smem:$0x3F9B] =	sst s1;
	(tag) =	ssettag s2;
	_ =	strace s9  }
0x27: {  	s1 =	sld [smem:$0x3FAB]  }
0x28: {  	s2 =	sld [smem:$0x3FAC]  }
0x29: {  	s4 =	sld [smem:$0x3FAE]  }
0x2a: {  	p0 =	seq.s32 s5, $0x0;
	s5 =	sld [smem:$0x3FAF]  }
0x2b: {  	s6 =	sld [smem:$0x3FB0]  }
0x2c: {  	s7 =	sld [smem:$0x3FB1]  }
0x2d: {  	s3 =	simm.s32 $0x108;
	s8 =	sld [smem:$0x3FB2]  }
0x2e: {  	s3 =	simm.s32 @!p0 $0x1082;
	s9 =	sld [smem:$0x3FB3]  }
0x2f: {  	lr =	sadd.s32 s0, s3;
	s0 =	sld [smem:$0x3FAA]  }
0x30: {  	s3 =	sld [smem:$0x3FAD]  }
0x31: {  	[smem:$0x3FB6] =	sst s10  }
0x32: {  	s10 =	sld [smem:$0x3FB4];
	_ =	sdelay $0x3  }
0x33: {  	p0 =	seq.s32 s10, $0x1;
	s10 =	sld [smem:$0x3FB6];
	_ =	sdelay $0x3  }
0x34: {  	[smem:$0x3FB6] =	sst s10  }
0x35: {  	s10 =	sld [smem:$0x3FB5];
	_ =	sdelay $0x3  }
0x36: {  	p1 =	seq.s32 s10, $0x1;
	s10 =	sld [smem:$0x3FB6];
	_ =	sdelay $0x3  }
0x37: {  	[smem:$0x3FB6] =	sst s10  }
0x38: {  	s10 =	sld [smem:$0x3FB7]  }
0x39: {  	_ = 	snop;
	(pc) =	sbr.ind lr, $3  }
0x3a: {  	_ = 	snop  }
0x3b: {  	_ = 	snop  }
0x3c: {  	p2 =	seq.s32 s10, $0x1;
	s10 =	sld [smem:$0x3FB6]  }
0x3d: {  	_ =	shalt  }
0x3e: {  	_ =	shalt  }
0x3f: {  	_ =	shalt  }
0x40: {  	_ =	shalt  }
0x41: {  	_ =	shalt  }
0x42: {  	_ =	shalt  }
0x43: {  	_ =	shalt  }
0x44: {  	_ =	shalt  }
0x45: {  	_ =	shalt  }
0x46: {  	_ =	shalt  }
0x47: {  	_ =	shalt  }
0x48: {  	_ =	shalt  }
0x49: {  	_ =	shalt  }
0x4a: {  	_ =	shalt  }
0x4b: {  	_ =	shalt  }
0x4c: {  	_ =	shalt  }
0x4d: {  	_ =	shalt  }
0x4e: {  	_ =	shalt  }
0x4f: {  	_ =	shalt  }
0x50: {  	_ =	shalt  }
0x51: {  	_ =	shalt  }
0x52: {  	_ =	shalt  }
0x53: {  	_ =	shalt  }
0x54: {  	_ =	shalt  }
0x55: {  	_ =	shalt  }
0x56: {  	_ =	shalt  }
0x57: {  	_ =	shalt  }
0x58: {  	_ =	shalt  }
0x59: {  	_ =	shalt  }
0x5a: {  	_ =	shalt  }
0x5b: {  	_ =	shalt  }
0x5c: {  	_ =	shalt  }
0x5d: {  	_ =	shalt  }
0x5e: {  	_ =	shalt  }
0x5f: {  	_ =	shalt  }
0x60: {  	_ =	shalt  }
0x61: {  	_ =	shalt  }
0x62: {  	_ =	shalt  }
0x63: {  	_ =	shalt  }
0x64: {  	_ =	shalt  }
0x65: {  	_ =	shalt  }
0x66: {  	_ =	shalt  }
0x67: {  	_ =	shalt  }
0x68: {  	_ =	shalt  }
0x69: {  	_ =	shalt  }
0x6a: {  	_ =	shalt  }
0x6b: {  	_ =	shalt  }
0x6c: {  	_ =	shalt  }
0x6d: {  	_ =	shalt  }
0x6e: {  	_ =	shalt  }
0x6f: {  	_ =	shalt  }
0x70: {  	_ =	shalt  }
0x71: {  	_ =	shalt  }
0x72: {  	_ =	shalt  }
0x73: {  	_ =	shalt  }
0x74: {  	_ =	shalt  }
0x75: {  	_ =	shalt  }
0x76: {  	_ =	shalt  }
0x77: {  	_ =	shalt  }
0x78: {  	_ =	shalt  }
0x79: {  	_ =	shalt  }
0x7a: {  	_ =	shalt  }
0x7b: {  	_ =	shalt  }
0x7c: {  	_ =	shalt  }
0x7d: {  	_ =	shalt  }
0x7e: {  	_ =	shalt  }
0x7f: {  	_ =	shalt  }
0x80: {  	_ =	shalt  }
0x81: {  	_ =	shalt  }
0x82: {  	_ =	shalt  }
0x83: {  	_ =	shalt  }
0x84: {  	_ =	shalt  }
0x85: {  	_ =	shalt  }
0x86: {  	_ =	shalt  }
0x87: {  	_ =	shalt  }
.Lfunc_end0:
.L_simem_size_0:
called_computation_lowered:
.L_overlay_start_0:
0x88: {  	s2 =	sld [smem:$0x3FD9]  }
0x89: {  	s3 =	sld [smem:$0x3FFE];
	_ =	sdelay $0x1  }
0x8a: {  	s1 =	srdreg.scid  }
0x8b: {  	s0 =	sand.u32 $0x1, s1  }
0x8c: {  	s16 =	sshll.u32 s0, $0xA;
	s2 =	sadd.s32 s3, s2  }
0x8d: {  	s2 =	sadd.s32 s2, s16  }
0x8e: {  	[smem:$0x3FC2] =	sst s2  }
0x8f: {  	_ = 	snop  }
0x90: {  	(tm) =	ssettm $0x1  }
0x91: {  	s17 =	sld [smem:$0x3FFB];
	_ =	sdelay $0x3  }
0x92: {  	_ =	strace s17  }
0x93: {  	s2 =	sld [smem:$0x3FFC];
	_ =	sdelay $0x3  }
0x94: {  	_ =	strace s2  }
0x95: {  	s2 =	sld [smem:$0x3FFD];
	_ =	sdelay $0x3  }
0x96: {  	_ =	strace s2  }
0x97: {  	_ =	strace $0x8FFFFFFF  }
0x98: {  	s18 =	sld [smem:$0x3FDB];
	_ =	sdelay $0x1  }
0x99: {  	s19 =	simm.s32 $_scs_section_size  }
0x9a: {  	s4 =	simm.s32 $_size__tile_overlayer_lowered;
	s5 =	simm.s32 $_tile_overlayer_lowered  }
0x9b: {  	s22 =	simm.s32 $0x1BFF;
	s21 =	sshll.u32 s5, $0x1;
	s2 =	sadd.s32 s19, s18  }
0x9c: {  	s6 =	simm.s32 $0x0;
	s20 =	sshll.u32 s4, $0x1;
	s4 =	sadd.s32 s21, s2  }
0x9d: {  	[timem:s6], [sflag:s22] =	dma.local [hbm:s4], s20  }
0x9e: {  	_ =	swait.ge [sflag:s22], s20  }
0x9f: {  	s3 =	ssub.s32 $0x0, s20;
	[sflag:s22] =	ssyncset.done $0x0  }
0xa0: {  	[sflag:s22] =	ssyncadd.s32 s3;
	_ =	sdelay $0x1  }
0xa1: {  	s23 =	simm.s32 $0x1B8B  }
0xa2: {  	_ =	swait.ge [sflag:s23], $0x1  }
0xa3: {  	[sflag:s23] =	ssyncset.done $0x0  }
0xa4: {  	s25 =	simm.s32 $0x1B8E;
	s24 =	sld [smem:$0x3FFE];
	[sflag:s23] =	ssyncadd.s32 $0xFFFFFFFF  }
0xa5: {  	s26 =	simm.s32 $execute0_lowered;
	[smem:$0x3FD2] =	sst s25  }
0xa6: {  	s4 =	sshll.u32 s26, $0x1;
	_ =	strace $0x80000046;
	[dreg:$0x1] =	wrdreg $0xFFFFFFFF  }
0xa7: {  	s28 =	simm.s32 $_size_execute0_lowered;
	s2 =	sadd.s32 s2, s4;
	[dreg:$0x0] =	wrdreg $0x0  }
0xa8: {  	s4 =	sshll.u32 s28, $0x1;
	[dreg:$0x2] =	wrdreg s2  }
0xa9: {  	[dreg:$0x3] =	wrdreg s4  }
0xaa: {  	[dreg:$0x4] =	wrdreg $0xC0  }
0xab: {  	_ =	task [dreg:s6], $0x5FFFF  }
0xac: {  	[dreg:$0x1] =	wrdreg $0xFFFFFFFF  }
0xad: {  	[dreg:$0x0] =	wrdreg $0x60  }
0xae: {  	[dreg:$0x2] =	wrdreg s24  }
0xaf: {  	[dreg:$0x3] =	wrdreg $0x9  }
0xb0: {  	_ =	task.clear_ibuf [dreg:s6], $0x4FFFF;
	_ =	strace $0x90000046  }
0xb1: {  	s29 =	simm.s32 $0x9;
	_ =	strace $0x80000048  }
0xb2: {  	_ =	swait.ge [sflag:s29], $0x1  }
0xb3: {  	[sflag:s29] =	ssyncadd.s32 $0xFFFFFFFF  }
0xb4: {  	_ =	strace $0x90000048  }
0xb5: {  	_ =	sfence  }
0xb6: {  	s30 =	sld [smem:$0x0];
	_ =	sdelay $0x2  }
0xb7: {  	s31 =	sshll.u32 s1, $0xD;
	s1 =	sshrl.u32 s1, $0x2  }
0xb8: {  	s3 =	sand.u32 $0x4000, s31;
	s1 =	sadd.s32 s1, s30  }
0xb9: {  	s0 =	sor.u32 s3, s0;
	s1 =	sshll.u32 s1, $0x11  }
0xba: {  	s0 =	sor.u32 s1, s0  }
0xbb: {  	s0 =	sadd.s32 $0x8F2B, s0  }
0xbc: {  	[sflag:s0] =	ssyncadd.remote.s32 $0x1  }
0xbd: {  	_ =	sfence.sel $0xFFFF  }
0xbe: {  	[dreg:$0x0] =	wrdreg $0xFFFFFFFF;
	(pc) =	sbr.abs _section_cstart, $3  }
0xbf: {  	[dreg:$0x1] =	wrdreg $0xFFFFFFFF  }
0xc0: {  	_ =	task.clear_ibuf [dreg:s6], $0x2FFFF;
	_ =	strace $0x9FFFFFFF  }
0xc1: {  	(tm) =	ssettm $0x7FFFFFFF  }
tec
execute0_lowered:
.L_overlay_start_1:
0x0: {  	(tag) =	ssettag $0x1  }
0x1: {  	s3 =	rddreg [dreg:$0x0]  }
0x2: {  	s0 =	rddreg [dreg:$0x1]  }
0x3: {  	s1 =	stileid.u32;
	s2 =	simm.s32 $0x0;
	s4 =	srdreg.scid  }
0x4: {  	s9 =	simm.s32 $0x2780;
	s10 =	simm.s32 $0x0;
	s5 =	sshrl.u32 s1, $0x2  }
0x5: {  	s4 =	sand.u32 $0x1, s4;
	s6 =	sshll.u32 s1, $0x8;
	[smem:$0x7FF] =	sst s2  }
0x6: {  	s7 =	smul.u32 $0x13C00, s5;
	s8 =	sshll.u32 s4, $0x7;
	s6 =	sand.u32 $0x300, s6  }
0x7: {  	s5 =	smul.u32 $0x14000, s5;
	s4 =	ssub.s32 $0x2, s4;
	s6 =	sor.u32 s8, s6  }
0x8: {  	_ =	strace $0x80000047;
	s30 =	sshrl.u32 s4, $0x1;
	s7 =	sor.u32 s7, s6  }
0x9: {  	s8 =	simm.s32 $0x1;
	s5 =	sor.u32 s5, s6;
	s29 =	sshrl.u32 s7, $0x3  }
0xa: {  	s31 =	ssub.s32 s4, s30;
	s5 =	sshrl.u32 s5, $0x3;
	s6 =	sadd.s32 s29, s3  }
0xb: {  	s7 =	simm.s32 $0x400;
	s5 =	sadd.s32 s5, s3;
	s3 =	sadd.s32 $0x2000, s6  }
0xc: {  	v0 =	vimm.f32 $0.0e+00;
	v1 =	vimm.f32 $1.000000000e+00;
	s4 =	sadd.s32 $0xBE00, s5;
	s5 =	smax.u32 s31, $0x1;
	s6 =	simm.s32 $0x80  }
.LBB2_1:
0xd: {  	[tilespmem:s2], [sflag:$0x1] =	stream.strided.gather [hbm4b:s3+s6], $0x2780, s7, s6, $0x38;
	[tilespmem:$0x4F80] =	vst v63  }
0xe: {  	_ =	swait.ge [sflag:s8], $0x2780  }
0xf: {  	[sflag:s8] =	ssyncset.done $0x0  }
0x10: {  	s11 =	simm.s32 $0x0;
	[sflag:s8] =	ssyncadd.s32 $0xFFFFD880  }
.LBB2_2:
0x11: {  	p0 =	sne.s32 s11, $0x9FC0  }
.Ltmp0:
0x12: {  	_ = 	snop;
	(pc) =	sbr.rel @p0 .LBB2_2-.Ltmp0, $3  }
0x13: {  	_ =	sdelay $0x1  }
0x14: {  	s12 =	sshra.s32 s11, $0x2  }
0x15: {  	s11 =	sadd.s32 $0x40, s11;
	[tilespmem:s12+$0x2780] =	vst v0  }
0x16: {  	s12 =	simm.s32 $0x0;
	s11 =	simm.s32 $0x40  }
.LBB2_4:
0x17: {  	p0 =	sne.s32 s11, $0x9DC0;
	v2 =	vld [tilespmem:s12+$0x0];
	_ =	sdelay $0x3  }
.Ltmp1:
0x18: {  	(pc) =	sbr.rel @p0 .LBB2_4-.Ltmp1, $2  }
0x19: {  	_ =	sdelay $0x2  }
0x1a: {  	s12 =	sshra.s32 s11, $0x2;
	s11 =	sadd.s32 $0x40, s11;
	[tilespmem:v2+s9+$0x0] =	vst.idx.add.f32.msk $0xffff, v1  }
0x1b: {  	v2 =	vld [tilespmem:s12+$0x0];
	_ =	sdelay $0x5  }
0x1c: {  	s10 =	sadd.s32 $0x1, s10  }
0x1d: {  	p0 =	sne.s32 s10, s5  }
.Ltmp2:
0x1e: {  	[tilespmem:v2+s9+$0x0] =	vst.idx.add.f32.msk $0xffff, v1;
	(pc) =	sbr.rel @p0 .LBB2_1-.Ltmp2, $4  }
0x1f: {  	[hbm4b:s4+s6] =	stream.strided.scatter [tilespmem:s9], [sflag:$0x1], $0x2800, s7, s6, $0x38;
	[tilespmem:$0x4F80] =	vst v63  }
0x20: {  	_ =	swait.ge [sflag:s8], $0x2800  }
0x21: {  	[sflag:s8] =	ssyncset.done $0x0  }
0x22: {  	[sflag:s8] =	ssyncadd.s32 $0xFFFFD800  }
0x23: {  	_ =	sfence.sel $0x180000  }
0x24: {  	[bflag:$0x0] =	sbarrier.arrive $0xFFFF  }
0x25: {  	p0 =	sne.s32 s1, $0x0;
	_ =	strace $0x90000047  }
0x26: {  	s0 =	sadd.s32 @!p0 $0x100000, s0;
	[bflag:$0x2] =	sbarrier.arrive $0xFFFF  }
0x27: {  	[sflag:s0] =	ssyncadd.tile.s32 @!p0 $0x1;
	_ =	shalt  }
.Lfunc_end2:
_tile_overlayer_lowered:
.L_overlay_start_2:
0x28: {  	(tag) =	ssettag $0x2  }
0x29: {  	s0 =	rddreg [dreg:$0x0];
	s2 =	stileid.u32  }
0x2a: {  	s1 =	rddreg [dreg:$0x1];
	p0 =	sne.s32 s2, $0x0  }
0x2b: {  	s3 =	rddreg [dreg:$0x2];
	[bflag:$0x3] =	sbarrier.arrive $0xFFFF;
	s2 =	simm.s32 @!p0 $0x1C01  }
0x2c: {  	[timem:s3], [sflag:s2] =	dma.local @!p0 [hbm:s0], s1  }
0x2d: {  	s0 =	simm.s32 @!p0 $0x1  }
0x2e: {  	_ =	swait.ge @!p0 [sflag:s0], s1  }
0x2f: {  	s1 =	ssub.s32 @!p0 $0x0, s1;
	[sflag:s0] =	ssyncset.done @!p0 $0x0  }
0x30: {  	[sflag:s0] =	ssyncadd.s32 @!p0 s1  }
0x31: {  	[bflag:$0x3] =	sbarrier.arrive $0xFFFF  }
0x32: {  	_ =	shalt  }

</sc_bundles>
